<compile_context>
chip_gen: v7x
topology: tpu7x:2x2x1
jax: 0.10.2.dev20260603
libtpu: 0.0.44.dev20260713+nightly
codegen_flags: <defaults>
</compile_context>

<pallas_src>
import functools

import jax
import jax.numpy as jnp
from jax import lax
from jax.experimental import pallas as pl
from jax.experimental.pallas import tpu as pltpu
from jax.experimental.pallas import tpu_sc as plsc

N = 10000
NP = 10240
E = 320000
H = 128
NC = 2
NS = 16
NW = NC * NS
KE = 128
EPAD = 327680
EPTP = EPAD // NW
NITE = EPTP // KE
R = 2
NITH = NITE // R
RPT = NP // NS


def _sc_mesh():
    return plsc.VectorSubcoreMesh(core_axis_name="c", subcore_axis_name="s")


@functools.partial(
    pl.kernel,
    out_type=jax.ShapeDtypeStruct((NC * NP, 16), jnp.float32),
    mesh=_sc_mesh(),
    scratch_types=[
        pltpu.VMEM((NITE, KE), jnp.int32),
        pltpu.VMEM((KE, 16), jnp.float32),
        pltpu.VMEM_SHARED((NP, 16), jnp.float32),
        pltpu.SemaphoreType.DMA,
        pltpu.SemaphoreType.DMA,
        pltpu.SemaphoreType.DMA,
        pltpu.SemaphoreType.DMA,
    ],
)
def _deg_kernel(dst_hbm, zeros_hbm, ones_hbm, out_hbm, dst_v, ones_v, acc,
                d0, d1, d2, d3):
    dsem = (d0, d1, d2, d3)
    c = lax.axis_index("c")
    s = lax.axis_index("s")
    wid = c * NS + s
    pltpu.sync_copy(dst_hbm.at[wid], dst_v)
    pltpu.sync_copy(ones_hbm, ones_v)
    pltpu.sync_copy(zeros_hbm.at[pl.ds(s * RPT, RPT)], acc.at[pl.ds(s * RPT, RPT)])
    plsc.subcore_barrier()

    def body(i, carry):
        for r in range(R):
            j = R * i + r

            @pl.when(i > 0)
            def _(r=r, j=j):
                pltpu.make_async_copy(ones_v, acc.at[dst_v.at[j]], dsem[r]).wait()

            pltpu.async_copy(ones_v, acc.at[dst_v.at[j]], dsem[r], add=True)
        return carry

    lax.fori_loop(0, NITH, body, 0)
    for r in range(R):
        pltpu.make_async_copy(ones_v, acc.at[dst_v.at[r]], dsem[r]).wait()
    plsc.subcore_barrier()
    pltpu.sync_copy(acc.at[pl.ds(s * RPT, RPT)],
                    out_hbm.at[pl.ds(c * NP + s * RPT, RPT)])


@functools.partial(
    pl.kernel,
    out_type=jax.ShapeDtypeStruct((NC * NP, H), jnp.float32),
    mesh=_sc_mesh(),
    scratch_types=[
        pltpu.VMEM((KE,), jnp.int32),
        pltpu.VMEM((KE,), jnp.int32),
        pltpu.VMEM((KE,), jnp.int32),
        pltpu.VMEM((KE,), jnp.int32),
        pltpu.VMEM((KE, H), jnp.float32),
        pltpu.VMEM((KE, H), jnp.float32),
        pltpu.VMEM_SHARED((NP, H), jnp.float32),
        pltpu.SemaphoreType.DMA,
        pltpu.SemaphoreType.DMA,
        pltpu.SemaphoreType.DMA,
        pltpu.SemaphoreType.DMA,
    ],
)
def _edge_kernel(hs_hbm, src_hbm, dst_hbm, zeros_hbm, out_hbm,
                 sb0, sb1, db0, db1, rows0, rows1, acc,
                 g0, g1, s0, s1):
    sbuf = (sb0, sb1)
    dbuf = (db0, db1)
    rows = (rows0, rows1)
    gsem = (g0, g1)
    ssem = (s0, s1)
    c = lax.axis_index("c")
    s = lax.axis_index("s")
    wid = c * NS + s
    base0 = wid * EPTP
    pltpu.sync_copy(zeros_hbm.at[pl.ds(s * RPT, RPT)], acc.at[pl.ds(s * RPT, RPT)])
    for r in range(R):
        pltpu.sync_copy(src_hbm.at[pl.ds(base0 + r * KE, KE)], sbuf[r])
        pltpu.sync_copy(dst_hbm.at[pl.ds(base0 + r * KE, KE)], dbuf[r])
        pltpu.async_copy(hs_hbm.at[sbuf[r]], rows[r], gsem[r])
    plsc.subcore_barrier()

    def body(i, carry):
        scat = []
        for r in range(R):
            pltpu.make_async_copy(hs_hbm.at[sbuf[r]], rows[r], gsem[r]).wait()
            scat.append(
                pltpu.async_copy(rows[r], acc.at[dbuf[r]], ssem[r], add=True))
        for r in range(R):
            nxt = base0 + (R * i + R + r) * KE

            @pl.when(i < NITH - 1)
            def _(r=r, nxt=nxt):
                pltpu.sync_copy(src_hbm.at[pl.ds(nxt, KE)], sbuf[r])
            scat[r].wait()

            @pl.when(i < NITH - 1)
            def _(r=r, nxt=nxt):
                pltpu.sync_copy(dst_hbm.at[pl.ds(nxt, KE)], dbuf[r])
                pltpu.async_copy(hs_hbm.at[sbuf[r]], rows[r], gsem[r])
        return carry

    lax.fori_loop(0, NITH, body, 0)
    plsc.subcore_barrier()
    pltpu.sync_copy(acc.at[pl.ds(s * RPT, RPT)],
                    out_hbm.at[pl.ds(c * NP + s * RPT, RPT)])


B = 1000


def _mm1_body(degp_ref, x_ref, w_ref, hs_ref, dinv_ref):
    deg = degp_ref[0, :, 0:1] + 1.0
    for _c in range(1, NC):
        deg = deg + degp_ref[_c, :, 0:1]
    dinv = lax.rsqrt(deg)
    h = jnp.dot(x_ref[...], w_ref[...], preferred_element_type=jnp.float32)
    hs_ref[...] = dinv * h
    dinv_ref[...] = dinv


_mm1 = pl.pallas_call(
    _mm1_body,
    grid=(N // B,),
    in_specs=[
        pl.BlockSpec((NC, B, 16), lambda i: (0, i, 0)),
        pl.BlockSpec((B, H), lambda i: (i, 0)),
        pl.BlockSpec((H, H), lambda i: (0, 0)),
    ],
    out_specs=[
        pl.BlockSpec((B, H), lambda i: (i, 0)),
        pl.BlockSpec((B, 1), lambda i: (i, 0)),
    ],
    out_shape=[
        jax.ShapeDtypeStruct((N, H), jnp.float32),
        jax.ShapeDtypeStruct((N, 1), jnp.float32),
    ],
)


def _lay_body(sp_ref, hs_ref, dinv_ref, b_ref, g_ref, w_ref, out_ref):
    dinv = dinv_ref[...]
    g = g_ref[...]
    t = sp_ref[0] + hs_ref[...]
    for _c in range(1, NC):
        t = t + sp_ref[_c]
    z = dinv * t + b_ref[...]
    a = g * jnp.maximum(z, 0.0) + (1.0 - g) * z
    fac = g * dinv + (1.0 - g)
    out_ref[...] = fac * jnp.dot(a, w_ref[...], preferred_element_type=jnp.float32)


_mm_lay = pl.pallas_call(
    _lay_body,
    grid=(N // B,),
    in_specs=[
        pl.BlockSpec((NC, B, H), lambda i: (0, i, 0)),
        pl.BlockSpec((B, H), lambda i: (i, 0)),
        pl.BlockSpec((B, 1), lambda i: (i, 0)),
        pl.BlockSpec((1, H), lambda i: (0, 0)),
        pl.BlockSpec((1, H), lambda i: (0, 0)),
        pl.BlockSpec((H, H), lambda i: (0, 0)),
    ],
    out_specs=pl.BlockSpec((B, H), lambda i: (i, 0)),
    out_shape=jax.ShapeDtypeStruct((N, H), jnp.float32),
)


def kernel(edge_index, emb, W1, b1, W2, b2, W3, b3):
    src = edge_index[0]
    dst = edge_index[1]
    pad = EPAD - E
    srcp = jnp.concatenate([src, jnp.zeros((pad,), src.dtype)])
    dstp = jnp.concatenate([dst, jnp.full((pad,), N, dst.dtype)])
    dstp3 = dstp.reshape(NW, NITE, KE)
    zeros16 = jnp.zeros((NP, 16), jnp.float32)
    zerosH = jnp.zeros((NP, H), jnp.float32)
    ones = jnp.ones((KE, 16), jnp.float32)

    degp = _deg_kernel(dstp3, zeros16, ones).reshape(NC, NP, 16)[:, :N, :]
    hs1, dinv = _mm1(degp, emb, W1)

    one_g = jnp.ones((1, H), jnp.float32)
    zero_g = jnp.zeros((1, H), jnp.float32)
    eye = jnp.eye(H, dtype=jnp.float32)

    s1 = _edge_kernel(hs1, srcp, dstp, zerosH).reshape(NC, NP, H)[:, :N, :]
    hs2 = _mm_lay(s1, hs1, dinv, b1.reshape(1, H), one_g, W2)
    s2 = _edge_kernel(hs2, srcp, dstp, zerosH).reshape(NC, NP, H)[:, :N, :]
    hs3 = _mm_lay(s2, hs2, dinv, b2.reshape(1, H), one_g, W3)
    s3 = _edge_kernel(hs3, srcp, dstp, zerosH).reshape(NC, NP, H)[:, :N, :]
    out = _mm_lay(s3, hs3, dinv, b3.reshape(1, H), zero_g, eye)
    return out

# --- scband reference (transcript-rebuilt; emitter-appended) ---
"""Pipeline reference for scband-gcnexternal-8246337208594 (READ-ONLY COPY).

The authoritative reference and input builder live on the scoring server;
editing this copy changes nothing except your own understanding.
"""

import jax, jax.numpy as jnp
import numpy as np

N = 10000
E = 320000
H = 128
OUT = 128

def setup_inputs(seed: int = 0) -> dict:
    key = jax.random.key(seed)
    ks = jax.random.split(key, 8)
    edge_index = jax.random.randint(ks[0], (2, E), 0, N, dtype=jnp.int32)
    emb = jax.random.normal(ks[1], (N, H), dtype=jnp.float32) * 0.1
    s = 1.0 / np.sqrt(H)
    W1 = jax.random.normal(ks[2], (H, H), dtype=jnp.float32) * s
    b1 = jnp.zeros((H,), dtype=jnp.float32)
    W2 = jax.random.normal(ks[3], (H, H), dtype=jnp.float32) * s
    b2 = jnp.zeros((H,), dtype=jnp.float32)
    W3 = jax.random.normal(ks[4], (H, OUT), dtype=jnp.float32) * s
    b3 = jnp.zeros((OUT,), dtype=jnp.float32)
    return {"edge_index": edge_index, "emb": emb, "W1": W1, "b1": b1,
            "W2": W2, "b2": b2, "W3": W3, "b3": b3}


def reference(edge_index, emb, W1, b1, W2, b2, W3, b3):
    n = emb.shape[0]
    loop = jnp.arange(n, dtype=edge_index.dtype)
    src = jnp.concatenate([edge_index[0], loop])
    dst = jnp.concatenate([edge_index[1], loop])
    # symmetric GCN normalization with self-loops (cached=True in original)
    deg = jax.ops.segment_sum(jnp.ones_like(dst, dtype=emb.dtype), dst, num_segments=n)
    dinv = jnp.where(deg > 0, jax.lax.rsqrt(jnp.maximum(deg, 1e-12)), 0.0)
    norm = dinv[src] * dinv[dst]

    def conv(x, W, b):
        h = x @ W
        msg = h[src] * norm[:, None]
        agg = jax.ops.segment_sum(msg, dst, num_segments=n)
        return agg + b

    # external_dims is None -> x is just the embedding table (eval mode, no dropout)
    x = emb
    x = jax.nn.relu(conv(x, W1, b1))
    x = jax.nn.relu(conv(x, W2, b2))
    x = conv(x, W3, b3)
    return x

if __name__ == "__main__":
    import jax
    _d = setup_inputs()
    print(jax.jit(kernel)(*tuple(_d.values())))

</pallas_src>

<mosaic_0001>
#map = affine_map<(d0, d1) -> (0, 0)>
#map1 = affine_map<(d0, d1) -> (0)>
module attributes {stable_mosaic.version = 14 : i64} {
  func.func @_edge_kernel(%arg0: i32, %arg1: i32, %arg2: memref<10000x128xf32, #tpu.memory_space<hbm>>, %arg3: memref<327680xi32, #tpu.memory_space<hbm>>, %arg4: memref<327680xi32, #tpu.memory_space<hbm>>, %arg5: memref<10240x128xf32, #tpu.memory_space<hbm>>, %arg6: memref<20480x128xf32, #tpu.memory_space<hbm>>, %arg7: memref<128xi32, #tpu.memory_space<vmem>>, %arg8: memref<128xi32, #tpu.memory_space<vmem>>, %arg9: memref<128xi32, #tpu.memory_space<vmem>>, %arg10: memref<128xi32, #tpu.memory_space<vmem>>, %arg11: memref<128x128xf32, #tpu.memory_space<vmem>>, %arg12: memref<128x128xf32, #tpu.memory_space<vmem>>, %arg13: memref<10240x128xf32, #tpu.memory_space<vmem_shared>>, %arg14: memref<!tpu.dma_semaphore, #tpu.memory_space<semaphore_mem>>, %arg15: memref<!tpu.dma_semaphore, #tpu.memory_space<semaphore_mem>>, %arg16: memref<!tpu.dma_semaphore, #tpu.memory_space<semaphore_mem>>, %arg17: memref<!tpu.dma_semaphore, #tpu.memory_space<semaphore_mem>>) attributes {dimension_semantics = [#tpu.dimension_semantics<core_parallel>, #tpu.dimension_semantics<subcore_parallel>], iteration_bounds = array<i64: 2, 16>, scalar_prefetch = 0 : i64, scratch_operands = 11 : i64, tpu.core_type = #tpu.core_type<sc_vector_subcore>, window_params = [{transform_indices = #map}, {transform_indices = #map1}, {transform_indices = #map1}, {transform_indices = #map}, {transform_indices = #map}]} {
    %mul3A = arith.constant 16 : i32
    %mul3A_0 = arith.muli %arg0, %mul3A : i32
    %add3A = arith.addi %mul3A_0, %arg1 : i32
    %mul3A_1 = arith.constant 10240 : i32
    %mul3A_2 = arith.muli %add3A, %mul3A_1 : i32
    %mul3A_3 = arith.constant 640 : i32
    %mul3A_4 = arith.muli %arg1, %mul3A_3 : i32
    %mul3A_5 = arith.constant 640 : i32
    %mul3A_6 = arith.muli %arg1, %mul3A_5 : i32
    "tpu.region"() ({
      %run_scoped3A = tpu.sem_alloc : memref<!tpu.dma_semaphore, #tpu.memory_space<semaphore_mem>>
      %dma_start3A_33 = arith.constant 0 : i32
      %dma_start3A_34 = tpu.memref_slice %arg13[%mul3A_6, %dma_start3A_33] : memref<10240x128xf32, #tpu.memory_space<vmem_shared>> -> memref<640x128xf32, #tpu.memory_space<vmem_shared>>
      %dma_start3A_35 = arith.constant 0 : i32
      %dma_start3A_36 = tpu.memref_slice %arg5[%mul3A_4, %dma_start3A_35] : memref<10240x128xf32, #tpu.memory_space<hbm>> -> memref<640x128xf32, #tpu.memory_space<hbm>>
      tpu.enqueue_dma source(%dma_start3A_36 : memref<640x128xf32, #tpu.memory_space<hbm>>) target(%dma_start3A_34 : memref<640x128xf32, #tpu.memory_space<vmem_shared>>) target_semaphore(%run_scoped3A : memref<!tpu.dma_semaphore, #tpu.memory_space<semaphore_mem>>)
      %dma_wait3A = arith.constant 0 : i32
      %dma_wait3A_37 = tpu.memref_slice %arg13[%mul3A_6, %dma_wait3A] : memref<10240x128xf32, #tpu.memory_space<vmem_shared>> -> memref<640x128xf32, #tpu.memory_space<vmem_shared>>
      %dma_wait3A_38 = arith.constant 0 : i32
      %dma_wait3A_39 = tpu.memref_slice %arg5[%mul3A_4, %dma_wait3A_38] : memref<10240x128xf32, #tpu.memory_space<hbm>> -> memref<640x128xf32, #tpu.memory_space<hbm>>
      tpu.wait_dma2 semaphore(%run_scoped3A : memref<!tpu.dma_semaphore, #tpu.memory_space<semaphore_mem>>) src(%dma_wait3A_39 : memref<640x128xf32, #tpu.memory_space<hbm>>) dst(%dma_wait3A_37 : memref<640x128xf32, #tpu.memory_space<vmem_shared>>)
      tpu.yield
    }) : () -> ()
    %add3A_7 = arith.constant 0 : i32
    %add3A_8 = arith.addi %mul3A_2, %add3A_7 : i32
    "tpu.region"() ({
      %run_scoped3A = tpu.sem_alloc : memref<!tpu.dma_semaphore, #tpu.memory_space<semaphore_mem>>
      %dma_start3A_33 = tpu.memref_slice %arg3[%add3A_8] : memref<327680xi32, #tpu.memory_space<hbm>> -> memref<128xi32, #tpu.memory_space<hbm>>
      %dma_start3A_34 = tpu.memref_slice %arg3[%add3A_8] : memref<327680xi32, #tpu.memory_space<hbm>> -> memref<128xi32, #tpu.memory_space<hbm>>
      tpu.enqueue_dma source(%dma_start3A_34 : memref<128xi32, #tpu.memory_space<hbm>>) target(%arg7 : memref<128xi32, #tpu.memory_space<vmem>>) target_semaphore(%run_scoped3A : memref<!tpu.dma_semaphore, #tpu.memory_space<semaphore_mem>>)
      %dma_wait3A = tpu.memref_slice %arg3[%add3A_8] : memref<327680xi32, #tpu.memory_space<hbm>> -> memref<128xi32, #tpu.memory_space<hbm>>
      %dma_wait3A_35 = tpu.memref_slice %arg3[%add3A_8] : memref<327680xi32, #tpu.memory_space<hbm>> -> memref<128xi32, #tpu.memory_space<hbm>>
      tpu.wait_dma2 semaphore(%run_scoped3A : memref<!tpu.dma_semaphore, #tpu.memory_space<semaphore_mem>>) src(%dma_wait3A_35 : memref<128xi32, #tpu.memory_space<hbm>>) dst(%arg7 : memref<128xi32, #tpu.memory_space<vmem>>)
      tpu.yield
    }) : () -> ()
    %add3A_9 = arith.constant 0 : i32
    %add3A_10 = arith.addi %mul3A_2, %add3A_9 : i32
    "tpu.region"() ({
      %run_scoped3A = tpu.sem_alloc : memref<!tpu.dma_semaphore, #tpu.memory_space<semaphore_mem>>
      %dma_start3A_33 = tpu.memref_slice %arg4[%add3A_10] : memref<327680xi32, #tpu.memory_space<hbm>> -> memref<128xi32, #tpu.memory_space<hbm>>
      %dma_start3A_34 = tpu.memref_slice %arg4[%add3A_10] : memref<327680xi32, #tpu.memory_space<hbm>> -> memref<128xi32, #tpu.memory_space<hbm>>
      tpu.enqueue_dma source(%dma_start3A_34 : memref<128xi32, #tpu.memory_space<hbm>>) target(%arg9 : memref<128xi32, #tpu.memory_space<vmem>>) target_semaphore(%run_scoped3A : memref<!tpu.dma_semaphore, #tpu.memory_space<semaphore_mem>>)
      %dma_wait3A = tpu.memref_slice %arg4[%add3A_10] : memref<327680xi32, #tpu.memory_space<hbm>> -> memref<128xi32, #tpu.memory_space<hbm>>
      %dma_wait3A_35 = tpu.memref_slice %arg4[%add3A_10] : memref<327680xi32, #tpu.memory_space<hbm>> -> memref<128xi32, #tpu.memory_space<hbm>>
      tpu.wait_dma2 semaphore(%run_scoped3A : memref<!tpu.dma_semaphore, #tpu.memory_space<semaphore_mem>>) src(%dma_wait3A_35 : memref<128xi32, #tpu.memory_space<hbm>>) dst(%arg9 : memref<128xi32, #tpu.memory_space<vmem>>)
      tpu.yield
    }) : () -> ()
    %dma_start3A = arith.constant 0 : i32
    %dma_start3A_11 = arith.constant 0 : i32
    %dma_start3A_12 = tpu.memref_slice %arg2[%dma_start3A, %dma_start3A_11] : memref<10000x128xf32, #tpu.memory_space<hbm>> -> memref<10000x128xf32, #tpu.memory_space<hbm>>
    tpu.enqueue_indirect_dma source(%dma_start3A_12 : memref<10000x128xf32, #tpu.memory_space<hbm>>) target(%arg11 : memref<128x128xf32, #tpu.memory_space<vmem>>) offsets(%arg7 : memref<128xi32, #tpu.memory_space<vmem>>) semaphore(%arg14 : memref<!tpu.dma_semaphore, #tpu.memory_space<semaphore_mem>>)
    %add3A_13 = arith.constant 128 : i32
    %add3A_14 = arith.addi %mul3A_2, %add3A_13 : i32
    "tpu.region"() ({
      %run_scoped3A = tpu.sem_alloc : memref<!tpu.dma_semaphore, #tpu.memory_space<semaphore_mem>>
      %dma_start3A_33 = tpu.memref_slice %arg3[%add3A_14] : memref<327680xi32, #tpu.memory_space<hbm>> -> memref<128xi32, #tpu.memory_space<hbm>>
      %dma_start3A_34 = tpu.memref_slice %arg3[%add3A_14] : memref<327680xi32, #tpu.memory_space<hbm>> -> memref<128xi32, #tpu.memory_space<hbm>>
      tpu.enqueue_dma source(%dma_start3A_34 : memref<128xi32, #tpu.memory_space<hbm>>) target(%arg8 : memref<128xi32, #tpu.memory_space<vmem>>) target_semaphore(%run_scoped3A : memref<!tpu.dma_semaphore, #tpu.memory_space<semaphore_mem>>)
      %dma_wait3A = tpu.memref_slice %arg3[%add3A_14] : memref<327680xi32, #tpu.memory_space<hbm>> -> memref<128xi32, #tpu.memory_space<hbm>>
      %dma_wait3A_35 = tpu.memref_slice %arg3[%add3A_14] : memref<327680xi32, #tpu.memory_space<hbm>> -> memref<128xi32, #tpu.memory_space<hbm>>
      tpu.wait_dma2 semaphore(%run_scoped3A : memref<!tpu.dma_semaphore, #tpu.memory_space<semaphore_mem>>) src(%dma_wait3A_35 : memref<128xi32, #tpu.memory_space<hbm>>) dst(%arg8 : memref<128xi32, #tpu.memory_space<vmem>>)
      tpu.yield
    }) : () -> ()
    %add3A_15 = arith.constant 128 : i32
    %add3A_16 = arith.addi %mul3A_2, %add3A_15 : i32
    "tpu.region"() ({
      %run_scoped3A = tpu.sem_alloc : memref<!tpu.dma_semaphore, #tpu.memory_space<semaphore_mem>>
      %dma_start3A_33 = tpu.memref_slice %arg4[%add3A_16] : memref<327680xi32, #tpu.memory_space<hbm>> -> memref<128xi32, #tpu.memory_space<hbm>>
      %dma_start3A_34 = tpu.memref_slice %arg4[%add3A_16] : memref<327680xi32, #tpu.memory_space<hbm>> -> memref<128xi32, #tpu.memory_space<hbm>>
      tpu.enqueue_dma source(%dma_start3A_34 : memref<128xi32, #tpu.memory_space<hbm>>) target(%arg10 : memref<128xi32, #tpu.memory_space<vmem>>) target_semaphore(%run_scoped3A : memref<!tpu.dma_semaphore, #tpu.memory_space<semaphore_mem>>)
      %dma_wait3A = tpu.memref_slice %arg4[%add3A_16] : memref<327680xi32, #tpu.memory_space<hbm>> -> memref<128xi32, #tpu.memory_space<hbm>>
      %dma_wait3A_35 = tpu.memref_slice %arg4[%add3A_16] : memref<327680xi32, #tpu.memory_space<hbm>> -> memref<128xi32, #tpu.memory_space<hbm>>
      tpu.wait_dma2 semaphore(%run_scoped3A : memref<!tpu.dma_semaphore, #tpu.memory_space<semaphore_mem>>) src(%dma_wait3A_35 : memref<128xi32, #tpu.memory_space<hbm>>) dst(%arg10 : memref<128xi32, #tpu.memory_space<vmem>>)
      tpu.yield
    }) : () -> ()
    %dma_start3A_17 = arith.constant 0 : i32
    %dma_start3A_18 = arith.constant 0 : i32
    %dma_start3A_19 = tpu.memref_slice %arg2[%dma_start3A_17, %dma_start3A_18] : memref<10000x128xf32, #tpu.memory_space<hbm>> -> memref<10000x128xf32, #tpu.memory_space<hbm>>
    tpu.enqueue_indirect_dma source(%dma_start3A_19 : memref<10000x128xf32, #tpu.memory_space<hbm>>) target(%arg12 : memref<128x128xf32, #tpu.memory_space<vmem>>) offsets(%arg8 : memref<128xi32, #tpu.memory_space<vmem>>) semaphore(%arg15 : memref<!tpu.dma_semaphore, #tpu.memory_space<semaphore_mem>>)
    %barrier3A = arith.constant 0 : index
    tpu.barrier barrier_id(%barrier3A)
    %scan3A = arith.constant 0 : i32
    %scan3A_20 = arith.constant 0 : i32
    %scan3A_21 = arith.constant 40 : i32
    %scan3A_22 = arith.addi %scan3A_20, %scan3A_21 : i32
    %scan3A_23 = arith.constant 1 : i32
    scf.for %scan3A_33 = %scan3A_20 to %scan3A_22 step %scan3A_23  : i32 {
      %dma_wait3A = arith.constant 0 : i32
      %dma_wait3A_34 = arith.constant 0 : i32
      %dma_wait3A_35 = tpu.memref_slice %arg2[%dma_wait3A, %dma_wait3A_34] : memref<10000x128xf32, #tpu.memory_space<hbm>> -> memref<10000x128xf32, #tpu.memory_space<hbm>>
      tpu.wait_indirect_dma semaphore(%arg14 : memref<!tpu.dma_semaphore, #tpu.memory_space<semaphore_mem>>) src(%dma_wait3A_35 : memref<10000x128xf32, #tpu.memory_space<hbm>>) dst(%arg11 : memref<128x128xf32, #tpu.memory_space<vmem>>)
      %dma_start3A_36 = arith.constant 0 : i32
      %dma_start3A_37 = arith.constant 0 : i32
      %dma_start3A_38 = tpu.memref_slice %arg13[%dma_start3A_36, %dma_start3A_37] : memref<10240x128xf32, #tpu.memory_space<vmem_shared>> -> memref<10240x128xf32, #tpu.memory_space<vmem_shared>>
      tpu.enqueue_indirect_dma source(%arg11 : memref<128x128xf32, #tpu.memory_space<vmem>>) target(%dma_start3A_38 : memref<10240x128xf32, #tpu.memory_space<vmem_shared>>) offsets(%arg9 : memref<128xi32, #tpu.memory_space<vmem>>) semaphore(%arg16 : memref<!tpu.dma_semaphore, #tpu.memory_space<semaphore_mem>>) {add = true}
      %dma_wait3A_39 = arith.constant 0 : i32
      %dma_wait3A_40 = arith.constant 0 : i32
      %dma_wait3A_41 = tpu.memref_slice %arg2[%dma_wait3A_39, %dma_wait3A_40] : memref<10000x128xf32, #tpu.memory_space<hbm>> -> memref<10000x128xf32, #tpu.memory_space<hbm>>
      tpu.wait_indirect_dma semaphore(%arg15 : memref<!tpu.dma_semaphore, #tpu.memory_space<semaphore_mem>>) src(%dma_wait3A_41 : memref<10000x128xf32, #tpu.memory_space<hbm>>) dst(%arg12 : memref<128x128xf32, #tpu.memory_space<vmem>>)
      %dma_start3A_42 = arith.constant 0 : i32
      %dma_start3A_43 = arith.constant 0 : i32
      %dma_start3A_44 = tpu.memref_slice %arg13[%dma_start3A_42, %dma_start3A_43] : memref<10240x128xf32, #tpu.memory_space<vmem_shared>> -> memref<10240x128xf32, #tpu.memory_space<vmem_shared>>
      tpu.enqueue_indirect_dma source(%arg12 : memref<128x128xf32, #tpu.memory_space<vmem>>) target(%dma_start3A_44 : memref<10240x128xf32, #tpu.memory_space<vmem_shared>>) offsets(%arg10 : memref<128xi32, #tpu.memory_space<vmem>>) semaphore(%arg17 : memref<!tpu.dma_semaphore, #tpu.memory_space<semaphore_mem>>) {add = true}
      %mul3A_45 = arith.constant 2 : i32
      %mul3A_46 = arith.muli %mul3A_45, %scan3A_33 : i32
      %add3A_47 = arith.constant 2 : i32
      %add3A_48 = arith.addi %mul3A_46, %add3A_47 : i32
      %add3A_49 = arith.constant 0 : i32
      %add3A_50 = arith.addi %add3A_48, %add3A_49 : i32
      %mul3A_51 = arith.constant 128 : i32
      %mul3A_52 = arith.muli %add3A_50, %mul3A_51 : i32
      %add3A_53 = arith.addi %mul3A_2, %mul3A_52 : i32
      %lt3A = arith.constant 39 : i32
      %lt3A_54 = arith.cmpi slt, %scan3A_33, %lt3A : i32
      %convert_element_type3A = arith.extui %lt3A_54 : i1 to i32
      %cond3A = arith.constant 0 : i32
      %cond3A_55 = arith.cmpi ne, %convert_element_type3A, %cond3A : i32
      scf.if %cond3A_55 {
        "tpu.region"() ({
          %run_scoped3A = tpu.sem_alloc : memref<!tpu.dma_semaphore, #tpu.memory_space<semaphore_mem>>
          %dma_start3A_86 = tpu.memref_slice %arg3[%add3A_53] : memref<327680xi32, #tpu.memory_space<hbm>> -> memref<128xi32, #tpu.memory_space<hbm>>
          %dma_start3A_87 = tpu.memref_slice %arg3[%add3A_53] : memref<327680xi32, #tpu.memory_space<hbm>> -> memref<128xi32, #tpu.memory_space<hbm>>
          tpu.enqueue_dma source(%dma_start3A_87 : memref<128xi32, #tpu.memory_space<hbm>>) target(%arg7 : memref<128xi32, #tpu.memory_space<vmem>>) target_semaphore(%run_scoped3A : memref<!tpu.dma_semaphore, #tpu.memory_space<semaphore_mem>>)
          %dma_wait3A_88 = tpu.memref_slice %arg3[%add3A_53] : memref<327680xi32, #tpu.memory_space<hbm>> -> memref<128xi32, #tpu.memory_space<hbm>>
          %dma_wait3A_89 = tpu.memref_slice %arg3[%add3A_53] : memref<327680xi32, #tpu.memory_space<hbm>> -> memref<128xi32, #tpu.memory_space<hbm>>
          tpu.wait_dma2 semaphore(%run_scoped3A : memref<!tpu.dma_semaphore, #tpu.memory_space<semaphore_mem>>) src(%dma_wait3A_89 : memref<128xi32, #tpu.memory_space<hbm>>) dst(%arg7 : memref<128xi32, #tpu.memory_space<vmem>>)
          tpu.yield
        }) : () -> ()
      } else {
      }
      %dma_wait3A_56 = arith.constant 0 : i32
      %dma_wait3A_57 = arith.constant 0 : i32
      %dma_wait3A_58 = tpu.memref_slice %arg13[%dma_wait3A_56, %dma_wait3A_57] : memref<10240x128xf32, #tpu.memory_space<vmem_shared>> -> memref<10240x128xf32, #tpu.memory_space<vmem_shared>>
      tpu.wait_indirect_dma semaphore(%arg16 : memref<!tpu.dma_semaphore, #tpu.memory_space<semaphore_mem>>) src(%arg11 : memref<128x128xf32, #tpu.memory_space<vmem>>) dst(%dma_wait3A_58 : memref<10240x128xf32, #tpu.memory_space<vmem_shared>>)
      %lt3A_59 = arith.constant 39 : i32
      %lt3A_60 = arith.cmpi slt, %scan3A_33, %lt3A_59 : i32
      %convert_element_type3A_61 = arith.extui %lt3A_60 : i1 to i32
      %cond3A_62 = arith.constant 0 : i32
      %cond3A_63 = arith.cmpi ne, %convert_element_type3A_61, %cond3A_62 : i32
      scf.if %cond3A_63 {
        "tpu.region"() ({
          %run_scoped3A = tpu.sem_alloc : memref<!tpu.dma_semaphore, #tpu.memory_space<semaphore_mem>>
          %dma_start3A_89 = tpu.memref_slice %arg4[%add3A_53] : memref<327680xi32, #tpu.memory_space<hbm>> -> memref<128xi32, #tpu.memory_space<hbm>>
          %dma_start3A_90 = tpu.memref_slice %arg4[%add3A_53] : memref<327680xi32, #tpu.memory_space<hbm>> -> memref<128xi32, #tpu.memory_space<hbm>>
          tpu.enqueue_dma source(%dma_start3A_90 : memref<128xi32, #tpu.memory_space<hbm>>) target(%arg9 : memref<128xi32, #tpu.memory_space<vmem>>) target_semaphore(%run_scoped3A : memref<!tpu.dma_semaphore, #tpu.memory_space<semaphore_mem>>)
          %dma_wait3A_91 = tpu.memref_slice %arg4[%add3A_53] : memref<327680xi32, #tpu.memory_space<hbm>> -> memref<128xi32, #tpu.memory_space<hbm>>
          %dma_wait3A_92 = tpu.memref_slice %arg4[%add3A_53] : memref<327680xi32, #tpu.memory_space<hbm>> -> memref<128xi32, #tpu.memory_space<hbm>>
          tpu.wait_dma2 semaphore(%run_scoped3A : memref<!tpu.dma_semaphore, #tpu.memory_space<semaphore_mem>>) src(%dma_wait3A_92 : memref<128xi32, #tpu.memory_space<hbm>>) dst(%arg9 : memref<128xi32, #tpu.memory_space<vmem>>)
          tpu.yield
        }) : () -> ()
        %dma_start3A_86 = arith.constant 0 : i32
        %dma_start3A_87 = arith.constant 0 : i32
        %dma_start3A_88 = tpu.memref_slice %arg2[%dma_start3A_86, %dma_start3A_87] : memref<10000x128xf32, #tpu.memory_space<hbm>> -> memref<10000x128xf32, #tpu.memory_space<hbm>>
        tpu.enqueue_indirect_dma source(%dma_start3A_88 : memref<10000x128xf32, #tpu.memory_space<hbm>>) target(%arg11 : memref<128x128xf32, #tpu.memory_space<vmem>>) offsets(%arg7 : memref<128xi32, #tpu.memory_space<vmem>>) semaphore(%arg14 : memref<!tpu.dma_semaphore, #tpu.memory_space<semaphore_mem>>)
      } else {
      }
      %mul3A_64 = arith.constant 2 : i32
      %mul3A_65 = arith.muli %mul3A_64, %scan3A_33 : i32
      %add3A_66 = arith.constant 2 : i32
      %add3A_67 = arith.addi %mul3A_65, %add3A_66 : i32
      %add3A_68 = arith.constant 1 : i32
      %add3A_69 = arith.addi %add3A_67, %add3A_68 : i32
      %mul3A_70 = arith.constant 128 : i32
      %mul3A_71 = arith.muli %add3A_69, %mul3A_70 : i32
      %add3A_72 = arith.addi %mul3A_2, %mul3A_71 : i32
      %lt3A_73 = arith.constant 39 : i32
      %lt3A_74 = arith.cmpi slt, %scan3A_33, %lt3A_73 : i32
      %convert_element_type3A_75 = arith.extui %lt3A_74 : i1 to i32
      %cond3A_76 = arith.constant 0 : i32
      %cond3A_77 = arith.cmpi ne, %convert_element_type3A_75, %cond3A_76 : i32
      scf.if %cond3A_77 {
        "tpu.region"() ({
          %run_scoped3A = tpu.sem_alloc : memref<!tpu.dma_semaphore, #tpu.memory_space<semaphore_mem>>
          %dma_start3A_86 = tpu.memref_slice %arg3[%add3A_72] : memref<327680xi32, #tpu.memory_space<hbm>> -> memref<128xi32, #tpu.memory_space<hbm>>
          %dma_start3A_87 = tpu.memref_slice %arg3[%add3A_72] : memref<327680xi32, #tpu.memory_space<hbm>> -> memref<128xi32, #tpu.memory_space<hbm>>
          tpu.enqueue_dma source(%dma_start3A_87 : memref<128xi32, #tpu.memory_space<hbm>>) target(%arg8 : memref<128xi32, #tpu.memory_space<vmem>>) target_semaphore(%run_scoped3A : memref<!tpu.dma_semaphore, #tpu.memory_space<semaphore_mem>>)
          %dma_wait3A_88 = tpu.memref_slice %arg3[%add3A_72] : memref<327680xi32, #tpu.memory_space<hbm>> -> memref<128xi32, #tpu.memory_space<hbm>>
          %dma_wait3A_89 = tpu.memref_slice %arg3[%add3A_72] : memref<327680xi32, #tpu.memory_space<hbm>> -> memref<128xi32, #tpu.memory_space<hbm>>
          tpu.wait_dma2 semaphore(%run_scoped3A : memref<!tpu.dma_semaphore, #tpu.memory_space<semaphore_mem>>) src(%dma_wait3A_89 : memref<128xi32, #tpu.memory_space<hbm>>) dst(%arg8 : memref<128xi32, #tpu.memory_space<vmem>>)
          tpu.yield
        }) : () -> ()
      } else {
      }
      %dma_wait3A_78 = arith.constant 0 : i32
      %dma_wait3A_79 = arith.constant 0 : i32
      %dma_wait3A_80 = tpu.memref_slice %arg13[%dma_wait3A_78, %dma_wait3A_79] : memref<10240x128xf32, #tpu.memory_space<vmem_shared>> -> memref<10240x128xf32, #tpu.memory_space<vmem_shared>>
      tpu.wait_indirect_dma semaphore(%arg17 : memref<!tpu.dma_semaphore, #tpu.memory_space<semaphore_mem>>) src(%arg12 : memref<128x128xf32, #tpu.memory_space<vmem>>) dst(%dma_wait3A_80 : memref<10240x128xf32, #tpu.memory_space<vmem_shared>>)
      %lt3A_81 = arith.constant 39 : i32
      %lt3A_82 = arith.cmpi slt, %scan3A_33, %lt3A_81 : i32
      %convert_element_type3A_83 = arith.extui %lt3A_82 : i1 to i32
      %cond3A_84 = arith.constant 0 : i32
      %cond3A_85 = arith.cmpi ne, %convert_element_type3A_83, %cond3A_84 : i32
      scf.if %cond3A_85 {
        "tpu.region"() ({
          %run_scoped3A = tpu.sem_alloc : memref<!tpu.dma_semaphore, #tpu.memory_space<semaphore_mem>>
          %dma_start3A_89 = tpu.memref_slice %arg4[%add3A_72] : memref<327680xi32, #tpu.memory_space<hbm>> -> memref<128xi32, #tpu.memory_space<hbm>>
          %dma_start3A_90 = tpu.memref_slice %arg4[%add3A_72] : memref<327680xi32, #tpu.memory_space<hbm>> -> memref<128xi32, #tpu.memory_space<hbm>>
          tpu.enqueue_dma source(%dma_start3A_90 : memref<128xi32, #tpu.memory_space<hbm>>) target(%arg10 : memref<128xi32, #tpu.memory_space<vmem>>) target_semaphore(%run_scoped3A : memref<!tpu.dma_semaphore, #tpu.memory_space<semaphore_mem>>)
          %dma_wait3A_91 = tpu.memref_slice %arg4[%add3A_72] : memref<327680xi32, #tpu.memory_space<hbm>> -> memref<128xi32, #tpu.memory_space<hbm>>
          %dma_wait3A_92 = tpu.memref_slice %arg4[%add3A_72] : memref<327680xi32, #tpu.memory_space<hbm>> -> memref<128xi32, #tpu.memory_space<hbm>>
          tpu.wait_dma2 semaphore(%run_scoped3A : memref<!tpu.dma_semaphore, #tpu.memory_space<semaphore_mem>>) src(%dma_wait3A_92 : memref<128xi32, #tpu.memory_space<hbm>>) dst(%arg10 : memref<128xi32, #tpu.memory_space<vmem>>)
          tpu.yield
        }) : () -> ()
        %dma_start3A_86 = arith.constant 0 : i32
        %dma_start3A_87 = arith.constant 0 : i32
        %dma_start3A_88 = tpu.memref_slice %arg2[%dma_start3A_86, %dma_start3A_87] : memref<10000x128xf32, #tpu.memory_space<hbm>> -> memref<10000x128xf32, #tpu.memory_space<hbm>>
        tpu.enqueue_indirect_dma source(%dma_start3A_88 : memref<10000x128xf32, #tpu.memory_space<hbm>>) target(%arg12 : memref<128x128xf32, #tpu.memory_space<vmem>>) offsets(%arg8 : memref<128xi32, #tpu.memory_space<vmem>>) semaphore(%arg15 : memref<!tpu.dma_semaphore, #tpu.memory_space<semaphore_mem>>)
      } else {
      }
    }
    %scan3A_24 = arith.constant 40 : i32
    %barrier3A_25 = arith.constant 0 : index
    tpu.barrier barrier_id(%barrier3A_25)
    %mul3A_26 = arith.constant 640 : i32
    %mul3A_27 = arith.muli %arg1, %mul3A_26 : i32
    %mul3A_28 = arith.constant 10240 : i32
    %mul3A_29 = arith.muli %arg0, %mul3A_28 : i32
    %mul3A_30 = arith.constant 640 : i32
    %mul3A_31 = arith.muli %arg1, %mul3A_30 : i32
    %add3A_32 = arith.addi %mul3A_29, %mul3A_31 : i32
    "tpu.region"() ({
      %run_scoped3A = tpu.sem_alloc : memref<!tpu.dma_semaphore, #tpu.memory_space<semaphore_mem>>
      %dma_start3A_33 = arith.constant 0 : i32
      %dma_start3A_34 = tpu.memref_slice %arg6[%add3A_32, %dma_start3A_33] : memref<20480x128xf32, #tpu.memory_space<hbm>> -> memref<640x128xf32, #tpu.memory_space<hbm>>
      %dma_start3A_35 = arith.constant 0 : i32
      %dma_start3A_36 = tpu.memref_slice %arg13[%mul3A_27, %dma_start3A_35] : memref<10240x128xf32, #tpu.memory_space<vmem_shared>> -> memref<640x128xf32, #tpu.memory_space<vmem_shared>>
      tpu.enqueue_dma source(%dma_start3A_36 : memref<640x128xf32, #tpu.memory_space<vmem_shared>>) target(%dma_start3A_34 : memref<640x128xf32, #tpu.memory_space<hbm>>) target_semaphore(%run_scoped3A : memref<!tpu.dma_semaphore, #tpu.memory_space<semaphore_mem>>)
      %dma_wait3A = arith.constant 0 : i32
      %dma_wait3A_37 = tpu.memref_slice %arg6[%add3A_32, %dma_wait3A] : memref<20480x128xf32, #tpu.memory_space<hbm>> -> memref<640x128xf32, #tpu.memory_space<hbm>>
      %dma_wait3A_38 = arith.constant 0 : i32
      %dma_wait3A_39 = tpu.memref_slice %arg13[%mul3A_27, %dma_wait3A_38] : memref<10240x128xf32, #tpu.memory_space<vmem_shared>> -> memref<640x128xf32, #tpu.memory_space<vmem_shared>>
      tpu.wait_dma2 semaphore(%run_scoped3A : memref<!tpu.dma_semaphore, #tpu.memory_space<semaphore_mem>>) src(%dma_wait3A_39 : memref<640x128xf32, #tpu.memory_space<vmem_shared>>) dst(%dma_wait3A_37 : memref<640x128xf32, #tpu.memory_space<hbm>>)
      tpu.yield
    }) : () -> ()
    return
  }
}

#map = affine_map<(d0, d1) -> (0, 0, 0)>
#map1 = affine_map<(d0, d1) -> (0, 0)>
module attributes {stable_mosaic.version = 14 : i64} {
  func.func @_deg_kernel(%arg0: i32, %arg1: i32, %arg2: memref<32x80x128xi32, #tpu.memory_space<hbm>>, %arg3: memref<10240x16xf32, #tpu.memory_space<hbm>>, %arg4: memref<128x16xf32, #tpu.memory_space<hbm>>, %arg5: memref<20480x16xf32, #tpu.memory_space<hbm>>, %arg6: memref<80x128xi32, #tpu.memory_space<vmem>>, %arg7: memref<128x16xf32, #tpu.memory_space<vmem>>, %arg8: memref<10240x16xf32, #tpu.memory_space<vmem_shared>>, %arg9: memref<!tpu.dma_semaphore, #tpu.memory_space<semaphore_mem>>, %arg10: memref<!tpu.dma_semaphore, #tpu.memory_space<semaphore_mem>>, %arg11: memref<!tpu.dma_semaphore, #tpu.memory_space<semaphore_mem>>, %arg12: memref<!tpu.dma_semaphore, #tpu.memory_space<semaphore_mem>>) attributes {dimension_semantics = [#tpu.dimension_semantics<core_parallel>, #tpu.dimension_semantics<subcore_parallel>], iteration_bounds = array<i64: 2, 16>, scalar_prefetch = 0 : i64, scratch_operands = 7 : i64, tpu.core_type = #tpu.core_type<sc_vector_subcore>, window_params = [{transform_indices = #map}, {transform_indices = #map1}, {transform_indices = #map1}, {transform_indices = #map1}]} {
    %mul3A = arith.constant 16 : i32
    %mul3A_0 = arith.muli %arg0, %mul3A : i32
    %add3A = arith.addi %mul3A_0, %arg1 : i32
    "tpu.region"() ({
      %run_scoped3A = tpu.sem_alloc : memref<!tpu.dma_semaphore, #tpu.memory_space<semaphore_mem>>
      %dma_start3A = arith.constant 0 : i32
      %dma_start3A_31 = arith.constant 0 : i32
      %dma_start3A_32 = tpu.memref_slice %arg2[%add3A, %dma_start3A, %dma_start3A_31] : memref<32x80x128xi32, #tpu.memory_space<hbm>> -> memref<1x80x128xi32, #tpu.memory_space<hbm>>
      %dma_start3A_33 = tpu.memref_squeeze %dma_start3A_32 : memref<1x80x128xi32, #tpu.memory_space<hbm>> -> memref<80x128xi32, #tpu.memory_space<hbm>>
      %dma_start3A_34 = arith.constant 0 : i32
      %dma_start3A_35 = arith.constant 0 : i32
      %dma_start3A_36 = tpu.memref_slice %arg2[%add3A, %dma_start3A_34, %dma_start3A_35] : memref<32x80x128xi32, #tpu.memory_space<hbm>> -> memref<1x80x128xi32, #tpu.memory_space<hbm>>
      %dma_start3A_37 = tpu.memref_squeeze %dma_start3A_36 : memref<1x80x128xi32, #tpu.memory_space<hbm>> -> memref<80x128xi32, #tpu.memory_space<hbm>>
      tpu.enqueue_dma source(%dma_start3A_37 : memref<80x128xi32, #tpu.memory_space<hbm>>) target(%arg6 : memref<80x128xi32, #tpu.memory_space<vmem>>) target_semaphore(%run_scoped3A : memref<!tpu.dma_semaphore, #tpu.memory_space<semaphore_mem>>)
      %dma_wait3A_38 = arith.constant 0 : i32
      %dma_wait3A_39 = arith.constant 0 : i32
      %dma_wait3A_40 = tpu.memref_slice %arg2[%add3A, %dma_wait3A_38, %dma_wait3A_39] : memref<32x80x128xi32, #tpu.memory_space<hbm>> -> memref<1x80x128xi32, #tpu.memory_space<hbm>>
      %dma_wait3A_41 = tpu.memref_squeeze %dma_wait3A_40 : memref<1x80x128xi32, #tpu.memory_space<hbm>> -> memref<80x128xi32, #tpu.memory_space<hbm>>
      %dma_wait3A_42 = arith.constant 0 : i32
      %dma_wait3A_43 = arith.constant 0 : i32
      %dma_wait3A_44 = tpu.memref_slice %arg2[%add3A, %dma_wait3A_42, %dma_wait3A_43] : memref<32x80x128xi32, #tpu.memory_space<hbm>> -> memref<1x80x128xi32, #tpu.memory_space<hbm>>
      %dma_wait3A_45 = tpu.memref_squeeze %dma_wait3A_44 : memref<1x80x128xi32, #tpu.memory_space<hbm>> -> memref<80x128xi32, #tpu.memory_space<hbm>>
      tpu.wait_dma2 semaphore(%run_scoped3A : memref<!tpu.dma_semaphore, #tpu.memory_space<semaphore_mem>>) src(%dma_wait3A_45 : memref<80x128xi32, #tpu.memory_space<hbm>>) dst(%arg6 : memref<80x128xi32, #tpu.memory_space<vmem>>)
      tpu.yield
    }) : () -> ()
    "tpu.region"() ({
      %run_scoped3A = tpu.sem_alloc : memref<!tpu.dma_semaphore, #tpu.memory_space<semaphore_mem>>
      tpu.enqueue_dma source(%arg4 : memref<128x16xf32, #tpu.memory_space<hbm>>) target(%arg7 : memref<128x16xf32, #tpu.memory_space<vmem>>) target_semaphore(%run_scoped3A : memref<!tpu.dma_semaphore, #tpu.memory_space<semaphore_mem>>)
      tpu.wait_dma2 semaphore(%run_scoped3A : memref<!tpu.dma_semaphore, #tpu.memory_space<semaphore_mem>>) src(%arg4 : memref<128x16xf32, #tpu.memory_space<hbm>>) dst(%arg7 : memref<128x16xf32, #tpu.memory_space<vmem>>)
      tpu.yield
    }) : () -> ()
    %mul3A_1 = arith.constant 640 : i32
    %mul3A_2 = arith.muli %arg1, %mul3A_1 : i32
    %mul3A_3 = arith.constant 640 : i32
    %mul3A_4 = arith.muli %arg1, %mul3A_3 : i32
    "tpu.region"() ({
      %run_scoped3A = tpu.sem_alloc : memref<!tpu.dma_semaphore, #tpu.memory_space<semaphore_mem>>
      %dma_start3A = arith.constant 0 : i32
      %dma_start3A_31 = tpu.memref_slice %arg8[%mul3A_4, %dma_start3A] : memref<10240x16xf32, #tpu.memory_space<vmem_shared>> -> memref<640x16xf32, #tpu.memory_space<vmem_shared>>
      %dma_start3A_32 = arith.constant 0 : i32
      %dma_start3A_33 = tpu.memref_slice %arg3[%mul3A_2, %dma_start3A_32] : memref<10240x16xf32, #tpu.memory_space<hbm>> -> memref<640x16xf32, #tpu.memory_space<hbm>>
      tpu.enqueue_dma source(%dma_start3A_33 : memref<640x16xf32, #tpu.memory_space<hbm>>) target(%dma_start3A_31 : memref<640x16xf32, #tpu.memory_space<vmem_shared>>) target_semaphore(%run_scoped3A : memref<!tpu.dma_semaphore, #tpu.memory_space<semaphore_mem>>)
      %dma_wait3A_34 = arith.constant 0 : i32
      %dma_wait3A_35 = tpu.memref_slice %arg8[%mul3A_4, %dma_wait3A_34] : memref<10240x16xf32, #tpu.memory_space<vmem_shared>> -> memref<640x16xf32, #tpu.memory_space<vmem_shared>>
      %dma_wait3A_36 = arith.constant 0 : i32
      %dma_wait3A_37 = tpu.memref_slice %arg3[%mul3A_2, %dma_wait3A_36] : memref<10240x16xf32, #tpu.memory_space<hbm>> -> memref<640x16xf32, #tpu.memory_space<hbm>>
      tpu.wait_dma2 semaphore(%run_scoped3A : memref<!tpu.dma_semaphore, #tpu.memory_space<semaphore_mem>>) src(%dma_wait3A_37 : memref<640x16xf32, #tpu.memory_space<hbm>>) dst(%dma_wait3A_35 : memref<640x16xf32, #tpu.memory_space<vmem_shared>>)
      tpu.yield
    }) : () -> ()
    %barrier3A = arith.constant 0 : index
    tpu.barrier barrier_id(%barrier3A)
    %scan3A = arith.constant 0 : i32
    %scan3A_5 = arith.constant 0 : i32
    %scan3A_6 = arith.constant 40 : i32
    %scan3A_7 = arith.addi %scan3A_5, %scan3A_6 : i32
    %scan3A_8 = arith.constant 1 : i32
    scf.for %scan3A_31 = %scan3A_5 to %scan3A_7 step %scan3A_8  : i32 {
      %mul3A_32 = arith.constant 2 : i32
      %mul3A_33 = arith.muli %mul3A_32, %scan3A_31 : i32
      %add3A_34 = arith.constant 0 : i32
      %add3A_35 = arith.addi %mul3A_33, %add3A_34 : i32
      %gt3A = arith.constant 0 : i32
      %gt3A_36 = arith.cmpi sgt, %scan3A_31, %gt3A : i32
      %convert_element_type3A = arith.extui %gt3A_36 : i1 to i32
      %cond3A = arith.constant 0 : i32
      %cond3A_37 = arith.cmpi ne, %convert_element_type3A, %cond3A : i32
      scf.if %cond3A_37 {
        %dma_wait3A_58 = arith.constant 0 : i32
        %dma_wait3A_59 = tpu.memref_slice %arg6[%add3A_35, %dma_wait3A_58] : memref<80x128xi32, #tpu.memory_space<vmem>> -> memref<1x128xi32, #tpu.memory_space<vmem>>
        %dma_wait3A_60 = tpu.memref_squeeze %dma_wait3A_59 : memref<1x128xi32, #tpu.memory_space<vmem>> -> memref<128xi32, #tpu.memory_space<vmem>>
        %dma_wait3A_61 = arith.constant 0 : i32
        %dma_wait3A_62 = arith.constant 0 : i32
        %dma_wait3A_63 = tpu.memref_slice %arg8[%dma_wait3A_61, %dma_wait3A_62] : memref<10240x16xf32, #tpu.memory_space<vmem_shared>> -> memref<10240x16xf32, #tpu.memory_space<vmem_shared>>
        tpu.wait_indirect_dma semaphore(%arg9 : memref<!tpu.dma_semaphore, #tpu.memory_space<semaphore_mem>>) src(%arg7 : memref<128x16xf32, #tpu.memory_space<vmem>>) dst(%dma_wait3A_63 : memref<10240x16xf32, #tpu.memory_space<vmem_shared>>)
      } else {
      }
      %dma_start3A = arith.constant 0 : i32
      %dma_start3A_38 = tpu.memref_slice %arg6[%add3A_35, %dma_start3A] : memref<80x128xi32, #tpu.memory_space<vmem>> -> memref<1x128xi32, #tpu.memory_space<vmem>>
      %dma_start3A_39 = tpu.memref_squeeze %dma_start3A_38 : memref<1x128xi32, #tpu.memory_space<vmem>> -> memref<128xi32, #tpu.memory_space<vmem>>
      %dma_start3A_40 = arith.constant 0 : i32
      %dma_start3A_41 = arith.constant 0 : i32
      %dma_start3A_42 = tpu.memref_slice %arg8[%dma_start3A_40, %dma_start3A_41] : memref<10240x16xf32, #tpu.memory_space<vmem_shared>> -> memref<10240x16xf32, #tpu.memory_space<vmem_shared>>
      tpu.enqueue_indirect_dma source(%arg7 : memref<128x16xf32, #tpu.memory_space<vmem>>) target(%dma_start3A_42 : memref<10240x16xf32, #tpu.memory_space<vmem_shared>>) offsets(%dma_start3A_39 : memref<128xi32, #tpu.memory_space<vmem>>) semaphore(%arg9 : memref<!tpu.dma_semaphore, #tpu.memory_space<semaphore_mem>>) {add = true}
      %mul3A_43 = arith.constant 2 : i32
      %mul3A_44 = arith.muli %mul3A_43, %scan3A_31 : i32
      %add3A_45 = arith.constant 1 : i32
      %add3A_46 = arith.addi %mul3A_44, %add3A_45 : i32
      %gt3A_47 = arith.constant 0 : i32
      %gt3A_48 = arith.cmpi sgt, %scan3A_31, %gt3A_47 : i32
      %convert_element_type3A_49 = arith.extui %gt3A_48 : i1 to i32
      %cond3A_50 = arith.constant 0 : i32
      %cond3A_51 = arith.cmpi ne, %convert_element_type3A_49, %cond3A_50 : i32
      scf.if %cond3A_51 {
        %dma_wait3A_58 = arith.constant 0 : i32
        %dma_wait3A_59 = tpu.memref_slice %arg6[%add3A_46, %dma_wait3A_58] : memref<80x128xi32, #tpu.memory_space<vmem>> -> memref<1x128xi32, #tpu.memory_space<vmem>>
        %dma_wait3A_60 = tpu.memref_squeeze %dma_wait3A_59 : memref<1x128xi32, #tpu.memory_space<vmem>> -> memref<128xi32, #tpu.memory_space<vmem>>
        %dma_wait3A_61 = arith.constant 0 : i32
        %dma_wait3A_62 = arith.constant 0 : i32
        %dma_wait3A_63 = tpu.memref_slice %arg8[%dma_wait3A_61, %dma_wait3A_62] : memref<10240x16xf32, #tpu.memory_space<vmem_shared>> -> memref<10240x16xf32, #tpu.memory_space<vmem_shared>>
        tpu.wait_indirect_dma semaphore(%arg10 : memref<!tpu.dma_semaphore, #tpu.memory_space<semaphore_mem>>) src(%arg7 : memref<128x16xf32, #tpu.memory_space<vmem>>) dst(%dma_wait3A_63 : memref<10240x16xf32, #tpu.memory_space<vmem_shared>>)
      } else {
      }
      %dma_start3A_52 = arith.constant 0 : i32
      %dma_start3A_53 = tpu.memref_slice %arg6[%add3A_46, %dma_start3A_52] : memref<80x128xi32, #tpu.memory_space<vmem>> -> memref<1x128xi32, #tpu.memory_space<vmem>>
      %dma_start3A_54 = tpu.memref_squeeze %dma_start3A_53 : memref<1x128xi32, #tpu.memory_space<vmem>> -> memref<128xi32, #tpu.memory_space<vmem>>
      %dma_start3A_55 = arith.constant 0 : i32
      %dma_start3A_56 = arith.constant 0 : i32
      %dma_start3A_57 = tpu.memref_slice %arg8[%dma_start3A_55, %dma_start3A_56] : memref<10240x16xf32, #tpu.memory_space<vmem_shared>> -> memref<10240x16xf32, #tpu.memory_space<vmem_shared>>
      tpu.enqueue_indirect_dma source(%arg7 : memref<128x16xf32, #tpu.memory_space<vmem>>) target(%dma_start3A_57 : memref<10240x16xf32, #tpu.memory_space<vmem_shared>>) offsets(%dma_start3A_54 : memref<128xi32, #tpu.memory_space<vmem>>) semaphore(%arg10 : memref<!tpu.dma_semaphore, #tpu.memory_space<semaphore_mem>>) {add = true}
    }
    %scan3A_9 = arith.constant 40 : i32
    %dma_wait3A = arith.constant 0 : i32
    %dma_wait3A_10 = arith.constant 0 : i32
    %dma_wait3A_11 = tpu.memref_slice %arg6[%dma_wait3A, %dma_wait3A_10] : memref<80x128xi32, #tpu.memory_space<vmem>> -> memref<1x128xi32, #tpu.memory_space<vmem>>
    %dma_wait3A_12 = tpu.memref_squeeze %dma_wait3A_11 : memref<1x128xi32, #tpu.memory_space<vmem>> -> memref<128xi32, #tpu.memory_space<vmem>>
    %dma_wait3A_13 = arith.constant 0 : i32
    %dma_wait3A_14 = arith.constant 0 : i32
    %dma_wait3A_15 = tpu.memref_slice %arg8[%dma_wait3A_13, %dma_wait3A_14] : memref<10240x16xf32, #tpu.memory_space<vmem_shared>> -> memref<10240x16xf32, #tpu.memory_space<vmem_shared>>
    tpu.wait_indirect_dma semaphore(%arg9 : memref<!tpu.dma_semaphore, #tpu.memory_space<semaphore_mem>>) src(%arg7 : memref<128x16xf32, #tpu.memory_space<vmem>>) dst(%dma_wait3A_15 : memref<10240x16xf32, #tpu.memory_space<vmem_shared>>)
    %dma_wait3A_16 = arith.constant 1 : i32
    %dma_wait3A_17 = arith.constant 0 : i32
    %dma_wait3A_18 = tpu.memref_slice %arg6[%dma_wait3A_16, %dma_wait3A_17] : memref<80x128xi32, #tpu.memory_space<vmem>> -> memref<1x128xi32, #tpu.memory_space<vmem>>
    %dma_wait3A_19 = tpu.memref_squeeze %dma_wait3A_18 : memref<1x128xi32, #tpu.memory_space<vmem>> -> memref<128xi32, #tpu.memory_space<vmem>>
    %dma_wait3A_20 = arith.constant 0 : i32
    %dma_wait3A_21 = arith.constant 0 : i32
    %dma_wait3A_22 = tpu.memref_slice %arg8[%dma_wait3A_20, %dma_wait3A_21] : memref<10240x16xf32, #tpu.memory_space<vmem_shared>> -> memref<10240x16xf32, #tpu.memory_space<vmem_shared>>
    tpu.wait_indirect_dma semaphore(%arg10 : memref<!tpu.dma_semaphore, #tpu.memory_space<semaphore_mem>>) src(%arg7 : memref<128x16xf32, #tpu.memory_space<vmem>>) dst(%dma_wait3A_22 : memref<10240x16xf32, #tpu.memory_space<vmem_shared>>)
    %barrier3A_23 = arith.constant 0 : index
    tpu.barrier barrier_id(%barrier3A_23)
    %mul3A_24 = arith.constant 640 : i32
    %mul3A_25 = arith.muli %arg1, %mul3A_24 : i32
    %mul3A_26 = arith.constant 10240 : i32
    %mul3A_27 = arith.muli %arg0, %mul3A_26 : i32
    %mul3A_28 = arith.constant 640 : i32
    %mul3A_29 = arith.muli %arg1, %mul3A_28 : i32
    %add3A_30 = arith.addi %mul3A_27, %mul3A_29 : i32
    "tpu.region"() ({
      %run_scoped3A = tpu.sem_alloc : memref<!tpu.dma_semaphore, #tpu.memory_space<semaphore_mem>>
      %dma_start3A = arith.constant 0 : i32
      %dma_start3A_31 = tpu.memref_slice %arg5[%add3A_30, %dma_start3A] : memref<20480x16xf32, #tpu.memory_space<hbm>> -> memref<640x16xf32, #tpu.memory_space<hbm>>
      %dma_start3A_32 = arith.constant 0 : i32
      %dma_start3A_33 = tpu.memref_slice %arg8[%mul3A_25, %dma_start3A_32] : memref<10240x16xf32, #tpu.memory_space<vmem_shared>> -> memref<640x16xf32, #tpu.memory_space<vmem_shared>>
      tpu.enqueue_dma source(%dma_start3A_33 : memref<640x16xf32, #tpu.memory_space<vmem_shared>>) target(%dma_start3A_31 : memref<640x16xf32, #tpu.memory_space<hbm>>) target_semaphore(%run_scoped3A : memref<!tpu.dma_semaphore, #tpu.memory_space<semaphore_mem>>)
      %dma_wait3A_34 = arith.constant 0 : i32
      %dma_wait3A_35 = tpu.memref_slice %arg5[%add3A_30, %dma_wait3A_34] : memref<20480x16xf32, #tpu.memory_space<hbm>> -> memref<640x16xf32, #tpu.memory_space<hbm>>
      %dma_wait3A_36 = arith.constant 0 : i32
      %dma_wait3A_37 = tpu.memref_slice %arg8[%mul3A_25, %dma_wait3A_36] : memref<10240x16xf32, #tpu.memory_space<vmem_shared>> -> memref<640x16xf32, #tpu.memory_space<vmem_shared>>
      tpu.wait_dma2 semaphore(%run_scoped3A : memref<!tpu.dma_semaphore, #tpu.memory_space<semaphore_mem>>) src(%dma_wait3A_37 : memref<640x16xf32, #tpu.memory_space<vmem_shared>>) dst(%dma_wait3A_35 : memref<640x16xf32, #tpu.memory_space<hbm>>)
      tpu.yield
    }) : () -> ()
    return
  }
}

#map = affine_map<(d0, d1) -> (0, 0)>
#map1 = affine_map<(d0, d1) -> (0)>
module attributes {stable_mosaic.version = 14 : i64} {
  func.func @_edge_kernel(%arg0: i32, %arg1: i32, %arg2: memref<10000x128xf32, #tpu.memory_space<hbm>>, %arg3: memref<327680xi32, #tpu.memory_space<hbm>>, %arg4: memref<327680xi32, #tpu.memory_space<hbm>>, %arg5: memref<10240x128xf32, #tpu.memory_space<hbm>>, %arg6: memref<20480x128xf32, #tpu.memory_space<hbm>>, %arg7: memref<128xi32, #tpu.memory_space<vmem>>, %arg8: memref<128xi32, #tpu.memory_space<vmem>>, %arg9: memref<128xi32, #tpu.memory_space<vmem>>, %arg10: memref<128xi32, #tpu.memory_space<vmem>>, %arg11: memref<128x128xf32, #tpu.memory_space<vmem>>, %arg12: memref<128x128xf32, #tpu.memory_space<vmem>>, %arg13: memref<10240x128xf32, #tpu.memory_space<vmem_shared>>, %arg14: memref<!tpu.dma_semaphore, #tpu.memory_space<semaphore_mem>>, %arg15: memref<!tpu.dma_semaphore, #tpu.memory_space<semaphore_mem>>, %arg16: memref<!tpu.dma_semaphore, #tpu.memory_space<semaphore_mem>>, %arg17: memref<!tpu.dma_semaphore, #tpu.memory_space<semaphore_mem>>) attributes {dimension_semantics = [#tpu.dimension_semantics<core_parallel>, #tpu.dimension_semantics<subcore_parallel>], iteration_bounds = array<i64: 2, 16>, scalar_prefetch = 0 : i64, scratch_operands = 11 : i64, tpu.core_type = #tpu.core_type<sc_vector_subcore>, window_params = [{transform_indices = #map}, {transform_indices = #map1}, {transform_indices = #map1}, {transform_indices = #map}, {transform_indices = #map}]} {
    %mul3A = arith.constant 16 : i32
    %mul3A_0 = arith.muli %arg0, %mul3A : i32
    %add3A = arith.addi %mul3A_0, %arg1 : i32
    %mul3A_1 = arith.constant 10240 : i32
    %mul3A_2 = arith.muli %add3A, %mul3A_1 : i32
    %mul3A_3 = arith.constant 640 : i32
    %mul3A_4 = arith.muli %arg1, %mul3A_3 : i32
    %mul3A_5 = arith.constant 640 : i32
    %mul3A_6 = arith.muli %arg1, %mul3A_5 : i32
    "tpu.region"() ({
      %run_scoped3A = tpu.sem_alloc : memref<!tpu.dma_semaphore, #tpu.memory_space<semaphore_mem>>
      %dma_start3A_33 = arith.constant 0 : i32
      %dma_start3A_34 = tpu.memref_slice %arg13[%mul3A_6, %dma_start3A_33] : memref<10240x128xf32, #tpu.memory_space<vmem_shared>> -> memref<640x128xf32, #tpu.memory_space<vmem_shared>>
      %dma_start3A_35 = arith.constant 0 : i32
      %dma_start3A_36 = tpu.memref_slice %arg5[%mul3A_4, %dma_start3A_35] : memref<10240x128xf32, #tpu.memory_space<hbm>> -> memref<640x128xf32, #tpu.memory_space<hbm>>
      tpu.enqueue_dma source(%dma_start3A_36 : memref<640x128xf32, #tpu.memory_space<hbm>>) target(%dma_start3A_34 : memref<640x128xf32, #tpu.memory_space<vmem_shared>>) target_semaphore(%run_scoped3A : memref<!tpu.dma_semaphore, #tpu.memory_space<semaphore_mem>>)
      %dma_wait3A = arith.constant 0 : i32
      %dma_wait3A_37 = tpu.memref_slice %arg13[%mul3A_6, %dma_wait3A] : memref<10240x128xf32, #tpu.memory_space<vmem_shared>> -> memref<640x128xf32, #tpu.memory_space<vmem_shared>>
      %dma_wait3A_38 = arith.constant 0 : i32
      %dma_wait3A_39 = tpu.memref_slice %arg5[%mul3A_4, %dma_wait3A_38] : memref<10240x128xf32, #tpu.memory_space<hbm>> -> memref<640x128xf32, #tpu.memory_space<hbm>>
      tpu.wait_dma2 semaphore(%run_scoped3A : memref<!tpu.dma_semaphore, #tpu.memory_space<semaphore_mem>>) src(%dma_wait3A_39 : memref<640x128xf32, #tpu.memory_space<hbm>>) dst(%dma_wait3A_37 : memref<640x128xf32, #tpu.memory_space<vmem_shared>>)
      tpu.yield
    }) : () -> ()
    %add3A_7 = arith.constant 0 : i32
    %add3A_8 = arith.addi %mul3A_2, %add3A_7 : i32
    "tpu.region"() ({
      %run_scoped3A = tpu.sem_alloc : memref<!tpu.dma_semaphore, #tpu.memory_space<semaphore_mem>>
      %dma_start3A_33 = tpu.memref_slice %arg3[%add3A_8] : memref<327680xi32, #tpu.memory_space<hbm>> -> memref<128xi32, #tpu.memory_space<hbm>>
      %dma_start3A_34 = tpu.memref_slice %arg3[%add3A_8] : memref<327680xi32, #tpu.memory_space<hbm>> -> memref<128xi32, #tpu.memory_space<hbm>>
      tpu.enqueue_dma source(%dma_start3A_34 : memref<128xi32, #tpu.memory_space<hbm>>) target(%arg7 : memref<128xi32, #tpu.memory_space<vmem>>) target_semaphore(%run_scoped3A : memref<!tpu.dma_semaphore, #tpu.memory_space<semaphore_mem>>)
      %dma_wait3A = tpu.memref_slice %arg3[%add3A_8] : memref<327680xi32, #tpu.memory_space<hbm>> -> memref<128xi32, #tpu.memory_space<hbm>>
      %dma_wait3A_35 = tpu.memref_slice %arg3[%add3A_8] : memref<327680xi32, #tpu.memory_space<hbm>> -> memref<128xi32, #tpu.memory_space<hbm>>
      tpu.wait_dma2 semaphore(%run_scoped3A : memref<!tpu.dma_semaphore, #tpu.memory_space<semaphore_mem>>) src(%dma_wait3A_35 : memref<128xi32, #tpu.memory_space<hbm>>) dst(%arg7 : memref<128xi32, #tpu.memory_space<vmem>>)
      tpu.yield
    }) : () -> ()
    %add3A_9 = arith.constant 0 : i32
    %add3A_10 = arith.addi %mul3A_2, %add3A_9 : i32
    "tpu.region"() ({
      %run_scoped3A = tpu.sem_alloc : memref<!tpu.dma_semaphore, #tpu.memory_space<semaphore_mem>>
      %dma_start3A_33 = tpu.memref_slice %arg4[%add3A_10] : memref<327680xi32, #tpu.memory_space<hbm>> -> memref<128xi32, #tpu.memory_space<hbm>>
      %dma_start3A_34 = tpu.memref_slice %arg4[%add3A_10] : memref<327680xi32, #tpu.memory_space<hbm>> -> memref<128xi32, #tpu.memory_space<hbm>>
      tpu.enqueue_dma source(%dma_start3A_34 : memref<128xi32, #tpu.memory_space<hbm>>) target(%arg9 : memref<128xi32, #tpu.memory_space<vmem>>) target_semaphore(%run_scoped3A : memref<!tpu.dma_semaphore, #tpu.memory_space<semaphore_mem>>)
      %dma_wait3A = tpu.memref_slice %arg4[%add3A_10] : memref<327680xi32, #tpu.memory_space<hbm>> -> memref<128xi32, #tpu.memory_space<hbm>>
      %dma_wait3A_35 = tpu.memref_slice %arg4[%add3A_10] : memref<327680xi32, #tpu.memory_space<hbm>> -> memref<128xi32, #tpu.memory_space<hbm>>
      tpu.wait_dma2 semaphore(%run_scoped3A : memref<!tpu.dma_semaphore, #tpu.memory_space<semaphore_mem>>) src(%dma_wait3A_35 : memref<128xi32, #tpu.memory_space<hbm>>) dst(%arg9 : memref<128xi32, #tpu.memory_space<vmem>>)
      tpu.yield
    }) : () -> ()
    %dma_start3A = arith.constant 0 : i32
    %dma_start3A_11 = arith.constant 0 : i32
    %dma_start3A_12 = tpu.memref_slice %arg2[%dma_start3A, %dma_start3A_11] : memref<10000x128xf32, #tpu.memory_space<hbm>> -> memref<10000x128xf32, #tpu.memory_space<hbm>>
    tpu.enqueue_indirect_dma source(%dma_start3A_12 : memref<10000x128xf32, #tpu.memory_space<hbm>>) target(%arg11 : memref<128x128xf32, #tpu.memory_space<vmem>>) offsets(%arg7 : memref<128xi32, #tpu.memory_space<vmem>>) semaphore(%arg14 : memref<!tpu.dma_semaphore, #tpu.memory_space<semaphore_mem>>)
    %add3A_13 = arith.constant 128 : i32
    %add3A_14 = arith.addi %mul3A_2, %add3A_13 : i32
    "tpu.region"() ({
      %run_scoped3A = tpu.sem_alloc : memref<!tpu.dma_semaphore, #tpu.memory_space<semaphore_mem>>
      %dma_start3A_33 = tpu.memref_slice %arg3[%add3A_14] : memref<327680xi32, #tpu.memory_space<hbm>> -> memref<128xi32, #tpu.memory_space<hbm>>
      %dma_start3A_34 = tpu.memref_slice %arg3[%add3A_14] : memref<327680xi32, #tpu.memory_space<hbm>> -> memref<128xi32, #tpu.memory_space<hbm>>
      tpu.enqueue_dma source(%dma_start3A_34 : memref<128xi32, #tpu.memory_space<hbm>>) target(%arg8 : memref<128xi32, #tpu.memory_space<vmem>>) target_semaphore(%run_scoped3A : memref<!tpu.dma_semaphore, #tpu.memory_space<semaphore_mem>>)
      %dma_wait3A = tpu.memref_slice %arg3[%add3A_14] : memref<327680xi32, #tpu.memory_space<hbm>> -> memref<128xi32, #tpu.memory_space<hbm>>
      %dma_wait3A_35 = tpu.memref_slice %arg3[%add3A_14] : memref<327680xi32, #tpu.memory_space<hbm>> -> memref<128xi32, #tpu.memory_space<hbm>>
      tpu.wait_dma2 semaphore(%run_scoped3A : memref<!tpu.dma_semaphore, #tpu.memory_space<semaphore_mem>>) src(%dma_wait3A_35 : memref<128xi32, #tpu.memory_space<hbm>>) dst(%arg8 : memref<128xi32, #tpu.memory_space<vmem>>)
      tpu.yield
    }) : () -> ()
    %add3A_15 = arith.constant 128 : i32
    %add3A_16 = arith.addi %mul3A_2, %add3A_15 : i32
    "tpu.region"() ({
      %run_scoped3A = tpu.sem_alloc : memref<!tpu.dma_semaphore, #tpu.memory_space<semaphore_mem>>
      %dma_start3A_33 = tpu.memref_slice %arg4[%add3A_16] : memref<327680xi32, #tpu.memory_space<hbm>> -> memref<128xi32, #tpu.memory_space<hbm>>
      %dma_start3A_34 = tpu.memref_slice %arg4[%add3A_16] : memref<327680xi32, #tpu.memory_space<hbm>> -> memref<128xi32, #tpu.memory_space<hbm>>
      tpu.enqueue_dma source(%dma_start3A_34 : memref<128xi32, #tpu.memory_space<hbm>>) target(%arg10 : memref<128xi32, #tpu.memory_space<vmem>>) target_semaphore(%run_scoped3A : memref<!tpu.dma_semaphore, #tpu.memory_space<semaphore_mem>>)
      %dma_wait3A = tpu.memref_slice %arg4[%add3A_16] : memref<327680xi32, #tpu.memory_space<hbm>> -> memref<128xi32, #tpu.memory_space<hbm>>
      %dma_wait3A_35 = tpu.memref_slice %arg4[%add3A_16] : memref<327680xi32, #tpu.memory_space<hbm>> -> memref<128xi32, #tpu.memory_space<hbm>>
      tpu.wait_dma2 semaphore(%run_scoped3A : memref<!tpu.dma_semaphore, #tpu.memory_space<semaphore_mem>>) src(%dma_wait3A_35 : memref<128xi32, #tpu.memory_space<hbm>>) dst(%arg10 : memref<128xi32, #tpu.memory_space<vmem>>)
      tpu.yield
    }) : () -> ()
    %dma_start3A_17 = arith.constant 0 : i32
    %dma_start3A_18 = arith.constant 0 : i32
    %dma_start3A_19 = tpu.memref_slice %arg2[%dma_start3A_17, %dma_start3A_18] : memref<10000x128xf32, #tpu.memory_space<hbm>> -> memref<10000x128xf32, #tpu.memory_space<hbm>>
    tpu.enqueue_indirect_dma source(%dma_start3A_19 : memref<10000x128xf32, #tpu.memory_space<hbm>>) target(%arg12 : memref<128x128xf32, #tpu.memory_space<vmem>>) offsets(%arg8 : memref<128xi32, #tpu.memory_space<vmem>>) semaphore(%arg15 : memref<!tpu.dma_semaphore, #tpu.memory_space<semaphore_mem>>)
    %barrier3A = arith.constant 0 : index
    tpu.barrier barrier_id(%barrier3A)
    %scan3A = arith.constant 0 : i32
    %scan3A_20 = arith.constant 0 : i32
    %scan3A_21 = arith.constant 40 : i32
    %scan3A_22 = arith.addi %scan3A_20, %scan3A_21 : i32
    %scan3A_23 = arith.constant 1 : i32
    scf.for %scan3A_33 = %scan3A_20 to %scan3A_22 step %scan3A_23  : i32 {
      %dma_wait3A = arith.constant 0 : i32
      %dma_wait3A_34 = arith.constant 0 : i32
      %dma_wait3A_35 = tpu.memref_slice %arg2[%dma_wait3A, %dma_wait3A_34] : memref<10000x128xf32, #tpu.memory_space<hbm>> -> memref<10000x128xf32, #tpu.memory_space<hbm>>
      tpu.wait_indirect_dma semaphore(%arg14 : memref<!tpu.dma_semaphore, #tpu.memory_space<semaphore_mem>>) src(%dma_wait3A_35 : memref<10000x128xf32, #tpu.memory_space<hbm>>) dst(%arg11 : memref<128x128xf32, #tpu.memory_space<vmem>>)
      %dma_start3A_36 = arith.constant 0 : i32
      %dma_start3A_37 = arith.constant 0 : i32
      %dma_start3A_38 = tpu.memref_slice %arg13[%dma_start3A_36, %dma_start3A_37] : memref<10240x128xf32, #tpu.memory_space<vmem_shared>> -> memref<10240x128xf32, #tpu.memory_space<vmem_shared>>
      tpu.enqueue_indirect_dma source(%arg11 : memref<128x128xf32, #tpu.memory_space<vmem>>) target(%dma_start3A_38 : memref<10240x128xf32, #tpu.memory_space<vmem_shared>>) offsets(%arg9 : memref<128xi32, #tpu.memory_space<vmem>>) semaphore(%arg16 : memref<!tpu.dma_semaphore, #tpu.memory_space<semaphore_mem>>) {add = true}
      %dma_wait3A_39 = arith.constant 0 : i32
      %dma_wait3A_40 = arith.constant 0 : i32
      %dma_wait3A_41 = tpu.memref_slice %arg2[%dma_wait3A_39, %dma_wait3A_40] : memref<10000x128xf32, #tpu.memory_space<hbm>> -> memref<10000x128xf32, #tpu.memory_space<hbm>>
      tpu.wait_indirect_dma semaphore(%arg15 : memref<!tpu.dma_semaphore, #tpu.memory_space<semaphore_mem>>) src(%dma_wait3A_41 : memref<10000x128xf32, #tpu.memory_space<hbm>>) dst(%arg12 : memref<128x128xf32, #tpu.memory_space<vmem>>)
      %dma_start3A_42 = arith.constant 0 : i32
      %dma_start3A_43 = arith.constant 0 : i32
      %dma_start3A_44 = tpu.memref_slice %arg13[%dma_start3A_42, %dma_start3A_43] : memref<10240x128xf32, #tpu.memory_space<vmem_shared>> -> memref<10240x128xf32, #tpu.memory_space<vmem_shared>>
      tpu.enqueue_indirect_dma source(%arg12 : memref<128x128xf32, #tpu.memory_space<vmem>>) target(%dma_start3A_44 : memref<10240x128xf32, #tpu.memory_space<vmem_shared>>) offsets(%arg10 : memref<128xi32, #tpu.memory_space<vmem>>) semaphore(%arg17 : memref<!tpu.dma_semaphore, #tpu.memory_space<semaphore_mem>>) {add = true}
      %mul3A_45 = arith.constant 2 : i32
      %mul3A_46 = arith.muli %mul3A_45, %scan3A_33 : i32
      %add3A_47 = arith.constant 2 : i32
      %add3A_48 = arith.addi %mul3A_46, %add3A_47 : i32
      %add3A_49 = arith.constant 0 : i32
      %add3A_50 = arith.addi %add3A_48, %add3A_49 : i32
      %mul3A_51 = arith.constant 128 : i32
      %mul3A_52 = arith.muli %add3A_50, %mul3A_51 : i32
      %add3A_53 = arith.addi %mul3A_2, %mul3A_52 : i32
      %lt3A = arith.constant 39 : i32
      %lt3A_54 = arith.cmpi slt, %scan3A_33, %lt3A : i32
      %convert_element_type3A = arith.extui %lt3A_54 : i1 to i32
      %cond3A = arith.constant 0 : i32
      %cond3A_55 = arith.cmpi ne, %convert_element_type3A, %cond3A : i32
      scf.if %cond3A_55 {
        "tpu.region"() ({
          %run_scoped3A = tpu.sem_alloc : memref<!tpu.dma_semaphore, #tpu.memory_space<semaphore_mem>>
          %dma_start3A_86 = tpu.memref_slice %arg3[%add3A_53] : memref<327680xi32, #tpu.memory_space<hbm>> -> memref<128xi32, #tpu.memory_space<hbm>>
          %dma_start3A_87 = tpu.memref_slice %arg3[%add3A_53] : memref<327680xi32, #tpu.memory_space<hbm>> -> memref<128xi32, #tpu.memory_space<hbm>>
          tpu.enqueue_dma source(%dma_start3A_87 : memref<128xi32, #tpu.memory_space<hbm>>) target(%arg7 : memref<128xi32, #tpu.memory_space<vmem>>) target_semaphore(%run_scoped3A : memref<!tpu.dma_semaphore, #tpu.memory_space<semaphore_mem>>)
          %dma_wait3A_88 = tpu.memref_slice %arg3[%add3A_53] : memref<327680xi32, #tpu.memory_space<hbm>> -> memref<128xi32, #tpu.memory_space<hbm>>
          %dma_wait3A_89 = tpu.memref_slice %arg3[%add3A_53] : memref<327680xi32, #tpu.memory_space<hbm>> -> memref<128xi32, #tpu.memory_space<hbm>>
          tpu.wait_dma2 semaphore(%run_scoped3A : memref<!tpu.dma_semaphore, #tpu.memory_space<semaphore_mem>>) src(%dma_wait3A_89 : memref<128xi32, #tpu.memory_space<hbm>>) dst(%arg7 : memref<128xi32, #tpu.memory_space<vmem>>)
          tpu.yield
        }) : () -> ()
      } else {
      }
      %dma_wait3A_56 = arith.constant 0 : i32
      %dma_wait3A_57 = arith.constant 0 : i32
      %dma_wait3A_58 = tpu.memref_slice %arg13[%dma_wait3A_56, %dma_wait3A_57] : memref<10240x128xf32, #tpu.memory_space<vmem_shared>> -> memref<10240x128xf32, #tpu.memory_space<vmem_shared>>
      tpu.wait_indirect_dma semaphore(%arg16 : memref<!tpu.dma_semaphore, #tpu.memory_space<semaphore_mem>>) src(%arg11 : memref<128x128xf32, #tpu.memory_space<vmem>>) dst(%dma_wait3A_58 : memref<10240x128xf32, #tpu.memory_space<vmem_shared>>)
      %lt3A_59 = arith.constant 39 : i32
      %lt3A_60 = arith.cmpi slt, %scan3A_33, %lt3A_59 : i32
      %convert_element_type3A_61 = arith.extui %lt3A_60 : i1 to i32
      %cond3A_62 = arith.constant 0 : i32
      %cond3A_63 = arith.cmpi ne, %convert_element_type3A_61, %cond3A_62 : i32
      scf.if %cond3A_63 {
        "tpu.region"() ({
          %run_scoped3A = tpu.sem_alloc : memref<!tpu.dma_semaphore, #tpu.memory_space<semaphore_mem>>
          %dma_start3A_89 = tpu.memref_slice %arg4[%add3A_53] : memref<327680xi32, #tpu.memory_space<hbm>> -> memref<128xi32, #tpu.memory_space<hbm>>
          %dma_start3A_90 = tpu.memref_slice %arg4[%add3A_53] : memref<327680xi32, #tpu.memory_space<hbm>> -> memref<128xi32, #tpu.memory_space<hbm>>
          tpu.enqueue_dma source(%dma_start3A_90 : memref<128xi32, #tpu.memory_space<hbm>>) target(%arg9 : memref<128xi32, #tpu.memory_space<vmem>>) target_semaphore(%run_scoped3A : memref<!tpu.dma_semaphore, #tpu.memory_space<semaphore_mem>>)
          %dma_wait3A_91 = tpu.memref_slice %arg4[%add3A_53] : memref<327680xi32, #tpu.memory_space<hbm>> -> memref<128xi32, #tpu.memory_space<hbm>>
          %dma_wait3A_92 = tpu.memref_slice %arg4[%add3A_53] : memref<327680xi32, #tpu.memory_space<hbm>> -> memref<128xi32, #tpu.memory_space<hbm>>
          tpu.wait_dma2 semaphore(%run_scoped3A : memref<!tpu.dma_semaphore, #tpu.memory_space<semaphore_mem>>) src(%dma_wait3A_92 : memref<128xi32, #tpu.memory_space<hbm>>) dst(%arg9 : memref<128xi32, #tpu.memory_space<vmem>>)
          tpu.yield
        }) : () -> ()
        %dma_start3A_86 = arith.constant 0 : i32
        %dma_start3A_87 = arith.constant 0 : i32
        %dma_start3A_88 = tpu.memref_slice %arg2[%dma_start3A_86, %dma_start3A_87] : memref<10000x128xf32, #tpu.memory_space<hbm>> -> memref<10000x128xf32, #tpu.memory_space<hbm>>
        tpu.enqueue_indirect_dma source(%dma_start3A_88 : memref<10000x128xf32, #tpu.memory_space<hbm>>) target(%arg11 : memref<128x128xf32, #tpu.memory_space<vmem>>) offsets(%arg7 : memref<128xi32, #tpu.memory_space<vmem>>) semaphore(%arg14 : memref<!tpu.dma_semaphore, #tpu.memory_space<semaphore_mem>>)
      } else {
      }
      %mul3A_64 = arith.constant 2 : i32
      %mul3A_65 = arith.muli %mul3A_64, %scan3A_33 : i32
      %add3A_66 = arith.constant 2 : i32
      %add3A_67 = arith.addi %mul3A_65, %add3A_66 : i32
      %add3A_68 = arith.constant 1 : i32
      %add3A_69 = arith.addi %add3A_67, %add3A_68 : i32
      %mul3A_70 = arith.constant 128 : i32
      %mul3A_71 = arith.muli %add3A_69, %mul3A_70 : i32
      %add3A_72 = arith.addi %mul3A_2, %mul3A_71 : i32
      %lt3A_73 = arith.constant 39 : i32
      %lt3A_74 = arith.cmpi slt, %scan3A_33, %lt3A_73 : i32
      %convert_element_type3A_75 = arith.extui %lt3A_74 : i1 to i32
      %cond3A_76 = arith.constant 0 : i32
      %cond3A_77 = arith.cmpi ne, %convert_element_type3A_75, %cond3A_76 : i32
      scf.if %cond3A_77 {
        "tpu.region"() ({
          %run_scoped3A = tpu.sem_alloc : memref<!tpu.dma_semaphore, #tpu.memory_space<semaphore_mem>>
          %dma_start3A_86 = tpu.memref_slice %arg3[%add3A_72] : memref<327680xi32, #tpu.memory_space<hbm>> -> memref<128xi32, #tpu.memory_space<hbm>>
          %dma_start3A_87 = tpu.memref_slice %arg3[%add3A_72] : memref<327680xi32, #tpu.memory_space<hbm>> -> memref<128xi32, #tpu.memory_space<hbm>>
          tpu.enqueue_dma source(%dma_start3A_87 : memref<128xi32, #tpu.memory_space<hbm>>) target(%arg8 : memref<128xi32, #tpu.memory_space<vmem>>) target_semaphore(%run_scoped3A : memref<!tpu.dma_semaphore, #tpu.memory_space<semaphore_mem>>)
          %dma_wait3A_88 = tpu.memref_slice %arg3[%add3A_72] : memref<327680xi32, #tpu.memory_space<hbm>> -> memref<128xi32, #tpu.memory_space<hbm>>
          %dma_wait3A_89 = tpu.memref_slice %arg3[%add3A_72] : memref<327680xi32, #tpu.memory_space<hbm>> -> memref<128xi32, #tpu.memory_space<hbm>>
          tpu.wait_dma2 semaphore(%run_scoped3A : memref<!tpu.dma_semaphore, #tpu.memory_space<semaphore_mem>>) src(%dma_wait3A_89 : memref<128xi32, #tpu.memory_space<hbm>>) dst(%arg8 : memref<128xi32, #tpu.memory_space<vmem>>)
          tpu.yield
        }) : () -> ()
      } else {
      }
      %dma_wait3A_78 = arith.constant 0 : i32
      %dma_wait3A_79 = arith.constant 0 : i32
      %dma_wait3A_80 = tpu.memref_slice %arg13[%dma_wait3A_78, %dma_wait3A_79] : memref<10240x128xf32, #tpu.memory_space<vmem_shared>> -> memref<10240x128xf32, #tpu.memory_space<vmem_shared>>
      tpu.wait_indirect_dma semaphore(%arg17 : memref<!tpu.dma_semaphore, #tpu.memory_space<semaphore_mem>>) src(%arg12 : memref<128x128xf32, #tpu.memory_space<vmem>>) dst(%dma_wait3A_80 : memref<10240x128xf32, #tpu.memory_space<vmem_shared>>)
      %lt3A_81 = arith.constant 39 : i32
      %lt3A_82 = arith.cmpi slt, %scan3A_33, %lt3A_81 : i32
      %convert_element_type3A_83 = arith.extui %lt3A_82 : i1 to i32
      %cond3A_84 = arith.constant 0 : i32
      %cond3A_85 = arith.cmpi ne, %convert_element_type3A_83, %cond3A_84 : i32
      scf.if %cond3A_85 {
        "tpu.region"() ({
          %run_scoped3A = tpu.sem_alloc : memref<!tpu.dma_semaphore, #tpu.memory_space<semaphore_mem>>
          %dma_start3A_89 = tpu.memref_slice %arg4[%add3A_72] : memref<327680xi32, #tpu.memory_space<hbm>> -> memref<128xi32, #tpu.memory_space<hbm>>
          %dma_start3A_90 = tpu.memref_slice %arg4[%add3A_72] : memref<327680xi32, #tpu.memory_space<hbm>> -> memref<128xi32, #tpu.memory_space<hbm>>
          tpu.enqueue_dma source(%dma_start3A_90 : memref<128xi32, #tpu.memory_space<hbm>>) target(%arg10 : memref<128xi32, #tpu.memory_space<vmem>>) target_semaphore(%run_scoped3A : memref<!tpu.dma_semaphore, #tpu.memory_space<semaphore_mem>>)
          %dma_wait3A_91 = tpu.memref_slice %arg4[%add3A_72] : memref<327680xi32, #tpu.memory_space<hbm>> -> memref<128xi32, #tpu.memory_space<hbm>>
          %dma_wait3A_92 = tpu.memref_slice %arg4[%add3A_72] : memref<327680xi32, #tpu.memory_space<hbm>> -> memref<128xi32, #tpu.memory_space<hbm>>
          tpu.wait_dma2 semaphore(%run_scoped3A : memref<!tpu.dma_semaphore, #tpu.memory_space<semaphore_mem>>) src(%dma_wait3A_92 : memref<128xi32, #tpu.memory_space<hbm>>) dst(%arg10 : memref<128xi32, #tpu.memory_space<vmem>>)
          tpu.yield
        }) : () -> ()
        %dma_start3A_86 = arith.constant 0 : i32
        %dma_start3A_87 = arith.constant 0 : i32
        %dma_start3A_88 = tpu.memref_slice %arg2[%dma_start3A_86, %dma_start3A_87] : memref<10000x128xf32, #tpu.memory_space<hbm>> -> memref<10000x128xf32, #tpu.memory_space<hbm>>
        tpu.enqueue_indirect_dma source(%dma_start3A_88 : memref<10000x128xf32, #tpu.memory_space<hbm>>) target(%arg12 : memref<128x128xf32, #tpu.memory_space<vmem>>) offsets(%arg8 : memref<128xi32, #tpu.memory_space<vmem>>) semaphore(%arg15 : memref<!tpu.dma_semaphore, #tpu.memory_space<semaphore_mem>>)
      } else {
      }
    }
    %scan3A_24 = arith.constant 40 : i32
    %barrier3A_25 = arith.constant 0 : index
    tpu.barrier barrier_id(%barrier3A_25)
    %mul3A_26 = arith.constant 640 : i32
    %mul3A_27 = arith.muli %arg1, %mul3A_26 : i32
    %mul3A_28 = arith.constant 10240 : i32
    %mul3A_29 = arith.muli %arg0, %mul3A_28 : i32
    %mul3A_30 = arith.constant 640 : i32
    %mul3A_31 = arith.muli %arg1, %mul3A_30 : i32
    %add3A_32 = arith.addi %mul3A_29, %mul3A_31 : i32
    "tpu.region"() ({
      %run_scoped3A = tpu.sem_alloc : memref<!tpu.dma_semaphore, #tpu.memory_space<semaphore_mem>>
      %dma_start3A_33 = arith.constant 0 : i32
      %dma_start3A_34 = tpu.memref_slice %arg6[%add3A_32, %dma_start3A_33] : memref<20480x128xf32, #tpu.memory_space<hbm>> -> memref<640x128xf32, #tpu.memory_space<hbm>>
      %dma_start3A_35 = arith.constant 0 : i32
      %dma_start3A_36 = tpu.memref_slice %arg13[%mul3A_27, %dma_start3A_35] : memref<10240x128xf32, #tpu.memory_space<vmem_shared>> -> memref<640x128xf32, #tpu.memory_space<vmem_shared>>
      tpu.enqueue_dma source(%dma_start3A_36 : memref<640x128xf32, #tpu.memory_space<vmem_shared>>) target(%dma_start3A_34 : memref<640x128xf32, #tpu.memory_space<hbm>>) target_semaphore(%run_scoped3A : memref<!tpu.dma_semaphore, #tpu.memory_space<semaphore_mem>>)
      %dma_wait3A = arith.constant 0 : i32
      %dma_wait3A_37 = tpu.memref_slice %arg6[%add3A_32, %dma_wait3A] : memref<20480x128xf32, #tpu.memory_space<hbm>> -> memref<640x128xf32, #tpu.memory_space<hbm>>
      %dma_wait3A_38 = arith.constant 0 : i32
      %dma_wait3A_39 = tpu.memref_slice %arg13[%mul3A_27, %dma_wait3A_38] : memref<10240x128xf32, #tpu.memory_space<vmem_shared>> -> memref<640x128xf32, #tpu.memory_space<vmem_shared>>
      tpu.wait_dma2 semaphore(%run_scoped3A : memref<!tpu.dma_semaphore, #tpu.memory_space<semaphore_mem>>) src(%dma_wait3A_39 : memref<640x128xf32, #tpu.memory_space<vmem_shared>>) dst(%dma_wait3A_37 : memref<640x128xf32, #tpu.memory_space<hbm>>)
      tpu.yield
    }) : () -> ()
    return
  }
}

#map = affine_map<(d0, d1) -> (0, 0)>
#map1 = affine_map<(d0, d1) -> (0)>
module attributes {stable_mosaic.version = 14 : i64} {
  func.func @_edge_kernel(%arg0: i32, %arg1: i32, %arg2: memref<10000x128xf32, #tpu.memory_space<hbm>>, %arg3: memref<327680xi32, #tpu.memory_space<hbm>>, %arg4: memref<327680xi32, #tpu.memory_space<hbm>>, %arg5: memref<10240x128xf32, #tpu.memory_space<hbm>>, %arg6: memref<20480x128xf32, #tpu.memory_space<hbm>>, %arg7: memref<128xi32, #tpu.memory_space<vmem>>, %arg8: memref<128xi32, #tpu.memory_space<vmem>>, %arg9: memref<128xi32, #tpu.memory_space<vmem>>, %arg10: memref<128xi32, #tpu.memory_space<vmem>>, %arg11: memref<128x128xf32, #tpu.memory_space<vmem>>, %arg12: memref<128x128xf32, #tpu.memory_space<vmem>>, %arg13: memref<10240x128xf32, #tpu.memory_space<vmem_shared>>, %arg14: memref<!tpu.dma_semaphore, #tpu.memory_space<semaphore_mem>>, %arg15: memref<!tpu.dma_semaphore, #tpu.memory_space<semaphore_mem>>, %arg16: memref<!tpu.dma_semaphore, #tpu.memory_space<semaphore_mem>>, %arg17: memref<!tpu.dma_semaphore, #tpu.memory_space<semaphore_mem>>) attributes {dimension_semantics = [#tpu.dimension_semantics<core_parallel>, #tpu.dimension_semantics<subcore_parallel>], iteration_bounds = array<i64: 2, 16>, scalar_prefetch = 0 : i64, scratch_operands = 11 : i64, tpu.core_type = #tpu.core_type<sc_vector_subcore>, window_params = [{transform_indices = #map}, {transform_indices = #map1}, {transform_indices = #map1}, {transform_indices = #map}, {transform_indices = #map}]} {
    %mul3A = arith.constant 16 : i32
    %mul3A_0 = arith.muli %arg0, %mul3A : i32
    %add3A = arith.addi %mul3A_0, %arg1 : i32
    %mul3A_1 = arith.constant 10240 : i32
    %mul3A_2 = arith.muli %add3A, %mul3A_1 : i32
    %mul3A_3 = arith.constant 640 : i32
    %mul3A_4 = arith.muli %arg1, %mul3A_3 : i32
    %mul3A_5 = arith.constant 640 : i32
    %mul3A_6 = arith.muli %arg1, %mul3A_5 : i32
    "tpu.region"() ({
      %run_scoped3A = tpu.sem_alloc : memref<!tpu.dma_semaphore, #tpu.memory_space<semaphore_mem>>
      %dma_start3A_33 = arith.constant 0 : i32
      %dma_start3A_34 = tpu.memref_slice %arg13[%mul3A_6, %dma_start3A_33] : memref<10240x128xf32, #tpu.memory_space<vmem_shared>> -> memref<640x128xf32, #tpu.memory_space<vmem_shared>>
      %dma_start3A_35 = arith.constant 0 : i32
      %dma_start3A_36 = tpu.memref_slice %arg5[%mul3A_4, %dma_start3A_35] : memref<10240x128xf32, #tpu.memory_space<hbm>> -> memref<640x128xf32, #tpu.memory_space<hbm>>
      tpu.enqueue_dma source(%dma_start3A_36 : memref<640x128xf32, #tpu.memory_space<hbm>>) target(%dma_start3A_34 : memref<640x128xf32, #tpu.memory_space<vmem_shared>>) target_semaphore(%run_scoped3A : memref<!tpu.dma_semaphore, #tpu.memory_space<semaphore_mem>>)
      %dma_wait3A = arith.constant 0 : i32
      %dma_wait3A_37 = tpu.memref_slice %arg13[%mul3A_6, %dma_wait3A] : memref<10240x128xf32, #tpu.memory_space<vmem_shared>> -> memref<640x128xf32, #tpu.memory_space<vmem_shared>>
      %dma_wait3A_38 = arith.constant 0 : i32
      %dma_wait3A_39 = tpu.memref_slice %arg5[%mul3A_4, %dma_wait3A_38] : memref<10240x128xf32, #tpu.memory_space<hbm>> -> memref<640x128xf32, #tpu.memory_space<hbm>>
      tpu.wait_dma2 semaphore(%run_scoped3A : memref<!tpu.dma_semaphore, #tpu.memory_space<semaphore_mem>>) src(%dma_wait3A_39 : memref<640x128xf32, #tpu.memory_space<hbm>>) dst(%dma_wait3A_37 : memref<640x128xf32, #tpu.memory_space<vmem_shared>>)
      tpu.yield
    }) : () -> ()
    %add3A_7 = arith.constant 0 : i32
    %add3A_8 = arith.addi %mul3A_2, %add3A_7 : i32
    "tpu.region"() ({
      %run_scoped3A = tpu.sem_alloc : memref<!tpu.dma_semaphore, #tpu.memory_space<semaphore_mem>>
      %dma_start3A_33 = tpu.memref_slice %arg3[%add3A_8] : memref<327680xi32, #tpu.memory_space<hbm>> -> memref<128xi32, #tpu.memory_space<hbm>>
      %dma_start3A_34 = tpu.memref_slice %arg3[%add3A_8] : memref<327680xi32, #tpu.memory_space<hbm>> -> memref<128xi32, #tpu.memory_space<hbm>>
      tpu.enqueue_dma source(%dma_start3A_34 : memref<128xi32, #tpu.memory_space<hbm>>) target(%arg7 : memref<128xi32, #tpu.memory_space<vmem>>) target_semaphore(%run_scoped3A : memref<!tpu.dma_semaphore, #tpu.memory_space<semaphore_mem>>)
      %dma_wait3A = tpu.memref_slice %arg3[%add3A_8] : memref<327680xi32, #tpu.memory_space<hbm>> -> memref<128xi32, #tpu.memory_space<hbm>>
      %dma_wait3A_35 = tpu.memref_slice %arg3[%add3A_8] : memref<327680xi32, #tpu.memory_space<hbm>> -> memref<128xi32, #tpu.memory_space<hbm>>
      tpu.wait_dma2 semaphore(%run_scoped3A : memref<!tpu.dma_semaphore, #tpu.memory_space<semaphore_mem>>) src(%dma_wait3A_35 : memref<128xi32, #tpu.memory_space<hbm>>) dst(%arg7 : memref<128xi32, #tpu.memory_space<vmem>>)
      tpu.yield
    }) : () -> ()
    %add3A_9 = arith.constant 0 : i32
    %add3A_10 = arith.addi %mul3A_2, %add3A_9 : i32
    "tpu.region"() ({
      %run_scoped3A = tpu.sem_alloc : memref<!tpu.dma_semaphore, #tpu.memory_space<semaphore_mem>>
      %dma_start3A_33 = tpu.memref_slice %arg4[%add3A_10] : memref<327680xi32, #tpu.memory_space<hbm>> -> memref<128xi32, #tpu.memory_space<hbm>>
      %dma_start3A_34 = tpu.memref_slice %arg4[%add3A_10] : memref<327680xi32, #tpu.memory_space<hbm>> -> memref<128xi32, #tpu.memory_space<hbm>>
      tpu.enqueue_dma source(%dma_start3A_34 : memref<128xi32, #tpu.memory_space<hbm>>) target(%arg9 : memref<128xi32, #tpu.memory_space<vmem>>) target_semaphore(%run_scoped3A : memref<!tpu.dma_semaphore, #tpu.memory_space<semaphore_mem>>)
      %dma_wait3A = tpu.memref_slice %arg4[%add3A_10] : memref<327680xi32, #tpu.memory_space<hbm>> -> memref<128xi32, #tpu.memory_space<hbm>>
      %dma_wait3A_35 = tpu.memref_slice %arg4[%add3A_10] : memref<327680xi32, #tpu.memory_space<hbm>> -> memref<128xi32, #tpu.memory_space<hbm>>
      tpu.wait_dma2 semaphore(%run_scoped3A : memref<!tpu.dma_semaphore, #tpu.memory_space<semaphore_mem>>) src(%dma_wait3A_35 : memref<128xi32, #tpu.memory_space<hbm>>) dst(%arg9 : memref<128xi32, #tpu.memory_space<vmem>>)
      tpu.yield
    }) : () -> ()
    %dma_start3A = arith.constant 0 : i32
    %dma_start3A_11 = arith.constant 0 : i32
    %dma_start3A_12 = tpu.memref_slice %arg2[%dma_start3A, %dma_start3A_11] : memref<10000x128xf32, #tpu.memory_space<hbm>> -> memref<10000x128xf32, #tpu.memory_space<hbm>>
    tpu.enqueue_indirect_dma source(%dma_start3A_12 : memref<10000x128xf32, #tpu.memory_space<hbm>>) target(%arg11 : memref<128x128xf32, #tpu.memory_space<vmem>>) offsets(%arg7 : memref<128xi32, #tpu.memory_space<vmem>>) semaphore(%arg14 : memref<!tpu.dma_semaphore, #tpu.memory_space<semaphore_mem>>)
    %add3A_13 = arith.constant 128 : i32
    %add3A_14 = arith.addi %mul3A_2, %add3A_13 : i32
    "tpu.region"() ({
      %run_scoped3A = tpu.sem_alloc : memref<!tpu.dma_semaphore, #tpu.memory_space<semaphore_mem>>
      %dma_start3A_33 = tpu.memref_slice %arg3[%add3A_14] : memref<327680xi32, #tpu.memory_space<hbm>> -> memref<128xi32, #tpu.memory_space<hbm>>
      %dma_start3A_34 = tpu.memref_slice %arg3[%add3A_14] : memref<327680xi32, #tpu.memory_space<hbm>> -> memref<128xi32, #tpu.memory_space<hbm>>
      tpu.enqueue_dma source(%dma_start3A_34 : memref<128xi32, #tpu.memory_space<hbm>>) target(%arg8 : memref<128xi32, #tpu.memory_space<vmem>>) target_semaphore(%run_scoped3A : memref<!tpu.dma_semaphore, #tpu.memory_space<semaphore_mem>>)
      %dma_wait3A = tpu.memref_slice %arg3[%add3A_14] : memref<327680xi32, #tpu.memory_space<hbm>> -> memref<128xi32, #tpu.memory_space<hbm>>
      %dma_wait3A_35 = tpu.memref_slice %arg3[%add3A_14] : memref<327680xi32, #tpu.memory_space<hbm>> -> memref<128xi32, #tpu.memory_space<hbm>>
      tpu.wait_dma2 semaphore(%run_scoped3A : memref<!tpu.dma_semaphore, #tpu.memory_space<semaphore_mem>>) src(%dma_wait3A_35 : memref<128xi32, #tpu.memory_space<hbm>>) dst(%arg8 : memref<128xi32, #tpu.memory_space<vmem>>)
      tpu.yield
    }) : () -> ()
    %add3A_15 = arith.constant 128 : i32
    %add3A_16 = arith.addi %mul3A_2, %add3A_15 : i32
    "tpu.region"() ({
      %run_scoped3A = tpu.sem_alloc : memref<!tpu.dma_semaphore, #tpu.memory_space<semaphore_mem>>
      %dma_start3A_33 = tpu.memref_slice %arg4[%add3A_16] : memref<327680xi32, #tpu.memory_space<hbm>> -> memref<128xi32, #tpu.memory_space<hbm>>
      %dma_start3A_34 = tpu.memref_slice %arg4[%add3A_16] : memref<327680xi32, #tpu.memory_space<hbm>> -> memref<128xi32, #tpu.memory_space<hbm>>
      tpu.enqueue_dma source(%dma_start3A_34 : memref<128xi32, #tpu.memory_space<hbm>>) target(%arg10 : memref<128xi32, #tpu.memory_space<vmem>>) target_semaphore(%run_scoped3A : memref<!tpu.dma_semaphore, #tpu.memory_space<semaphore_mem>>)
      %dma_wait3A = tpu.memref_slice %arg4[%add3A_16] : memref<327680xi32, #tpu.memory_space<hbm>> -> memref<128xi32, #tpu.memory_space<hbm>>
      %dma_wait3A_35 = tpu.memref_slice %arg4[%add3A_16] : memref<327680xi32, #tpu.memory_space<hbm>> -> memref<128xi32, #tpu.memory_space<hbm>>
      tpu.wait_dma2 semaphore(%run_scoped3A : memref<!tpu.dma_semaphore, #tpu.memory_space<semaphore_mem>>) src(%dma_wait3A_35 : memref<128xi32, #tpu.memory_space<hbm>>) dst(%arg10 : memref<128xi32, #tpu.memory_space<vmem>>)
      tpu.yield
    }) : () -> ()
    %dma_start3A_17 = arith.constant 0 : i32
    %dma_start3A_18 = arith.constant 0 : i32
    %dma_start3A_19 = tpu.memref_slice %arg2[%dma_start3A_17, %dma_start3A_18] : memref<10000x128xf32, #tpu.memory_space<hbm>> -> memref<10000x128xf32, #tpu.memory_space<hbm>>
    tpu.enqueue_indirect_dma source(%dma_start3A_19 : memref<10000x128xf32, #tpu.memory_space<hbm>>) target(%arg12 : memref<128x128xf32, #tpu.memory_space<vmem>>) offsets(%arg8 : memref<128xi32, #tpu.memory_space<vmem>>) semaphore(%arg15 : memref<!tpu.dma_semaphore, #tpu.memory_space<semaphore_mem>>)
    %barrier3A = arith.constant 0 : index
    tpu.barrier barrier_id(%barrier3A)
    %scan3A = arith.constant 0 : i32
    %scan3A_20 = arith.constant 0 : i32
    %scan3A_21 = arith.constant 40 : i32
    %scan3A_22 = arith.addi %scan3A_20, %scan3A_21 : i32
    %scan3A_23 = arith.constant 1 : i32
    scf.for %scan3A_33 = %scan3A_20 to %scan3A_22 step %scan3A_23  : i32 {
      %dma_wait3A = arith.constant 0 : i32
      %dma_wait3A_34 = arith.constant 0 : i32
      %dma_wait3A_35 = tpu.memref_slice %arg2[%dma_wait3A, %dma_wait3A_34] : memref<10000x128xf32, #tpu.memory_space<hbm>> -> memref<10000x128xf32, #tpu.memory_space<hbm>>
      tpu.wait_indirect_dma semaphore(%arg14 : memref<!tpu.dma_semaphore, #tpu.memory_space<semaphore_mem>>) src(%dma_wait3A_35 : memref<10000x128xf32, #tpu.memory_space<hbm>>) dst(%arg11 : memref<128x128xf32, #tpu.memory_space<vmem>>)
      %dma_start3A_36 = arith.constant 0 : i32
      %dma_start3A_37 = arith.constant 0 : i32
      %dma_start3A_38 = tpu.memref_slice %arg13[%dma_start3A_36, %dma_start3A_37] : memref<10240x128xf32, #tpu.memory_space<vmem_shared>> -> memref<10240x128xf32, #tpu.memory_space<vmem_shared>>
      tpu.enqueue_indirect_dma source(%arg11 : memref<128x128xf32, #tpu.memory_space<vmem>>) target(%dma_start3A_38 : memref<10240x128xf32, #tpu.memory_space<vmem_shared>>) offsets(%arg9 : memref<128xi32, #tpu.memory_space<vmem>>) semaphore(%arg16 : memref<!tpu.dma_semaphore, #tpu.memory_space<semaphore_mem>>) {add = true}
      %dma_wait3A_39 = arith.constant 0 : i32
      %dma_wait3A_40 = arith.constant 0 : i32
      %dma_wait3A_41 = tpu.memref_slice %arg2[%dma_wait3A_39, %dma_wait3A_40] : memref<10000x128xf32, #tpu.memory_space<hbm>> -> memref<10000x128xf32, #tpu.memory_space<hbm>>
      tpu.wait_indirect_dma semaphore(%arg15 : memref<!tpu.dma_semaphore, #tpu.memory_space<semaphore_mem>>) src(%dma_wait3A_41 : memref<10000x128xf32, #tpu.memory_space<hbm>>) dst(%arg12 : memref<128x128xf32, #tpu.memory_space<vmem>>)
      %dma_start3A_42 = arith.constant 0 : i32
      %dma_start3A_43 = arith.constant 0 : i32
      %dma_start3A_44 = tpu.memref_slice %arg13[%dma_start3A_42, %dma_start3A_43] : memref<10240x128xf32, #tpu.memory_space<vmem_shared>> -> memref<10240x128xf32, #tpu.memory_space<vmem_shared>>
      tpu.enqueue_indirect_dma source(%arg12 : memref<128x128xf32, #tpu.memory_space<vmem>>) target(%dma_start3A_44 : memref<10240x128xf32, #tpu.memory_space<vmem_shared>>) offsets(%arg10 : memref<128xi32, #tpu.memory_space<vmem>>) semaphore(%arg17 : memref<!tpu.dma_semaphore, #tpu.memory_space<semaphore_mem>>) {add = true}
      %mul3A_45 = arith.constant 2 : i32
      %mul3A_46 = arith.muli %mul3A_45, %scan3A_33 : i32
      %add3A_47 = arith.constant 2 : i32
      %add3A_48 = arith.addi %mul3A_46, %add3A_47 : i32
      %add3A_49 = arith.constant 0 : i32
      %add3A_50 = arith.addi %add3A_48, %add3A_49 : i32
      %mul3A_51 = arith.constant 128 : i32
      %mul3A_52 = arith.muli %add3A_50, %mul3A_51 : i32
      %add3A_53 = arith.addi %mul3A_2, %mul3A_52 : i32
      %lt3A = arith.constant 39 : i32
      %lt3A_54 = arith.cmpi slt, %scan3A_33, %lt3A : i32
      %convert_element_type3A = arith.extui %lt3A_54 : i1 to i32
      %cond3A = arith.constant 0 : i32
      %cond3A_55 = arith.cmpi ne, %convert_element_type3A, %cond3A : i32
      scf.if %cond3A_55 {
        "tpu.region"() ({
          %run_scoped3A = tpu.sem_alloc : memref<!tpu.dma_semaphore, #tpu.memory_space<semaphore_mem>>
          %dma_start3A_86 = tpu.memref_slice %arg3[%add3A_53] : memref<327680xi32, #tpu.memory_space<hbm>> -> memref<128xi32, #tpu.memory_space<hbm>>
          %dma_start3A_87 = tpu.memref_slice %arg3[%add3A_53] : memref<327680xi32, #tpu.memory_space<hbm>> -> memref<128xi32, #tpu.memory_space<hbm>>
          tpu.enqueue_dma source(%dma_start3A_87 : memref<128xi32, #tpu.memory_space<hbm>>) target(%arg7 : memref<128xi32, #tpu.memory_space<vmem>>) target_semaphore(%run_scoped3A : memref<!tpu.dma_semaphore, #tpu.memory_space<semaphore_mem>>)
          %dma_wait3A_88 = tpu.memref_slice %arg3[%add3A_53] : memref<327680xi32, #tpu.memory_space<hbm>> -> memref<128xi32, #tpu.memory_space<hbm>>
          %dma_wait3A_89 = tpu.memref_slice %arg3[%add3A_53] : memref<327680xi32, #tpu.memory_space<hbm>> -> memref<128xi32, #tpu.memory_space<hbm>>
          tpu.wait_dma2 semaphore(%run_scoped3A : memref<!tpu.dma_semaphore, #tpu.memory_space<semaphore_mem>>) src(%dma_wait3A_89 : memref<128xi32, #tpu.memory_space<hbm>>) dst(%arg7 : memref<128xi32, #tpu.memory_space<vmem>>)
          tpu.yield
        }) : () -> ()
      } else {
      }
      %dma_wait3A_56 = arith.constant 0 : i32
      %dma_wait3A_57 = arith.constant 0 : i32
      %dma_wait3A_58 = tpu.memref_slice %arg13[%dma_wait3A_56, %dma_wait3A_57] : memref<10240x128xf32, #tpu.memory_space<vmem_shared>> -> memref<10240x128xf32, #tpu.memory_space<vmem_shared>>
      tpu.wait_indirect_dma semaphore(%arg16 : memref<!tpu.dma_semaphore, #tpu.memory_space<semaphore_mem>>) src(%arg11 : memref<128x128xf32, #tpu.memory_space<vmem>>) dst(%dma_wait3A_58 : memref<10240x128xf32, #tpu.memory_space<vmem_shared>>)
      %lt3A_59 = arith.constant 39 : i32
      %lt3A_60 = arith.cmpi slt, %scan3A_33, %lt3A_59 : i32
      %convert_element_type3A_61 = arith.extui %lt3A_60 : i1 to i32
      %cond3A_62 = arith.constant 0 : i32
      %cond3A_63 = arith.cmpi ne, %convert_element_type3A_61, %cond3A_62 : i32
      scf.if %cond3A_63 {
        "tpu.region"() ({
          %run_scoped3A = tpu.sem_alloc : memref<!tpu.dma_semaphore, #tpu.memory_space<semaphore_mem>>
          %dma_start3A_89 = tpu.memref_slice %arg4[%add3A_53] : memref<327680xi32, #tpu.memory_space<hbm>> -> memref<128xi32, #tpu.memory_space<hbm>>
          %dma_start3A_90 = tpu.memref_slice %arg4[%add3A_53] : memref<327680xi32, #tpu.memory_space<hbm>> -> memref<128xi32, #tpu.memory_space<hbm>>
          tpu.enqueue_dma source(%dma_start3A_90 : memref<128xi32, #tpu.memory_space<hbm>>) target(%arg9 : memref<128xi32, #tpu.memory_space<vmem>>) target_semaphore(%run_scoped3A : memref<!tpu.dma_semaphore, #tpu.memory_space<semaphore_mem>>)
          %dma_wait3A_91 = tpu.memref_slice %arg4[%add3A_53] : memref<327680xi32, #tpu.memory_space<hbm>> -> memref<128xi32, #tpu.memory_space<hbm>>
          %dma_wait3A_92 = tpu.memref_slice %arg4[%add3A_53] : memref<327680xi32, #tpu.memory_space<hbm>> -> memref<128xi32, #tpu.memory_space<hbm>>
          tpu.wait_dma2 semaphore(%run_scoped3A : memref<!tpu.dma_semaphore, #tpu.memory_space<semaphore_mem>>) src(%dma_wait3A_92 : memref<128xi32, #tpu.memory_space<hbm>>) dst(%arg9 : memref<128xi32, #tpu.memory_space<vmem>>)
          tpu.yield
        }) : () -> ()
        %dma_start3A_86 = arith.constant 0 : i32
        %dma_start3A_87 = arith.constant 0 : i32
        %dma_start3A_88 = tpu.memref_slice %arg2[%dma_start3A_86, %dma_start3A_87] : memref<10000x128xf32, #tpu.memory_space<hbm>> -> memref<10000x128xf32, #tpu.memory_space<hbm>>
        tpu.enqueue_indirect_dma source(%dma_start3A_88 : memref<10000x128xf32, #tpu.memory_space<hbm>>) target(%arg11 : memref<128x128xf32, #tpu.memory_space<vmem>>) offsets(%arg7 : memref<128xi32, #tpu.memory_space<vmem>>) semaphore(%arg14 : memref<!tpu.dma_semaphore, #tpu.memory_space<semaphore_mem>>)
      } else {
      }
      %mul3A_64 = arith.constant 2 : i32
      %mul3A_65 = arith.muli %mul3A_64, %scan3A_33 : i32
      %add3A_66 = arith.constant 2 : i32
      %add3A_67 = arith.addi %mul3A_65, %add3A_66 : i32
      %add3A_68 = arith.constant 1 : i32
      %add3A_69 = arith.addi %add3A_67, %add3A_68 : i32
      %mul3A_70 = arith.constant 128 : i32
      %mul3A_71 = arith.muli %add3A_69, %mul3A_70 : i32
      %add3A_72 = arith.addi %mul3A_2, %mul3A_71 : i32
      %lt3A_73 = arith.constant 39 : i32
      %lt3A_74 = arith.cmpi slt, %scan3A_33, %lt3A_73 : i32
      %convert_element_type3A_75 = arith.extui %lt3A_74 : i1 to i32
      %cond3A_76 = arith.constant 0 : i32
      %cond3A_77 = arith.cmpi ne, %convert_element_type3A_75, %cond3A_76 : i32
      scf.if %cond3A_77 {
        "tpu.region"() ({
          %run_scoped3A = tpu.sem_alloc : memref<!tpu.dma_semaphore, #tpu.memory_space<semaphore_mem>>
          %dma_start3A_86 = tpu.memref_slice %arg3[%add3A_72] : memref<327680xi32, #tpu.memory_space<hbm>> -> memref<128xi32, #tpu.memory_space<hbm>>
          %dma_start3A_87 = tpu.memref_slice %arg3[%add3A_72] : memref<327680xi32, #tpu.memory_space<hbm>> -> memref<128xi32, #tpu.memory_space<hbm>>
          tpu.enqueue_dma source(%dma_start3A_87 : memref<128xi32, #tpu.memory_space<hbm>>) target(%arg8 : memref<128xi32, #tpu.memory_space<vmem>>) target_semaphore(%run_scoped3A : memref<!tpu.dma_semaphore, #tpu.memory_space<semaphore_mem>>)
          %dma_wait3A_88 = tpu.memref_slice %arg3[%add3A_72] : memref<327680xi32, #tpu.memory_space<hbm>> -> memref<128xi32, #tpu.memory_space<hbm>>
          %dma_wait3A_89 = tpu.memref_slice %arg3[%add3A_72] : memref<327680xi32, #tpu.memory_space<hbm>> -> memref<128xi32, #tpu.memory_space<hbm>>
          tpu.wait_dma2 semaphore(%run_scoped3A : memref<!tpu.dma_semaphore, #tpu.memory_space<semaphore_mem>>) src(%dma_wait3A_89 : memref<128xi32, #tpu.memory_space<hbm>>) dst(%arg8 : memref<128xi32, #tpu.memory_space<vmem>>)
          tpu.yield
        }) : () -> ()
      } else {
      }
      %dma_wait3A_78 = arith.constant 0 : i32
      %dma_wait3A_79 = arith.constant 0 : i32
      %dma_wait3A_80 = tpu.memref_slice %arg13[%dma_wait3A_78, %dma_wait3A_79] : memref<10240x128xf32, #tpu.memory_space<vmem_shared>> -> memref<10240x128xf32, #tpu.memory_space<vmem_shared>>
      tpu.wait_indirect_dma semaphore(%arg17 : memref<!tpu.dma_semaphore, #tpu.memory_space<semaphore_mem>>) src(%arg12 : memref<128x128xf32, #tpu.memory_space<vmem>>) dst(%dma_wait3A_80 : memref<10240x128xf32, #tpu.memory_space<vmem_shared>>)
      %lt3A_81 = arith.constant 39 : i32
      %lt3A_82 = arith.cmpi slt, %scan3A_33, %lt3A_81 : i32
      %convert_element_type3A_83 = arith.extui %lt3A_82 : i1 to i32
      %cond3A_84 = arith.constant 0 : i32
      %cond3A_85 = arith.cmpi ne, %convert_element_type3A_83, %cond3A_84 : i32
      scf.if %cond3A_85 {
        "tpu.region"() ({
          %run_scoped3A = tpu.sem_alloc : memref<!tpu.dma_semaphore, #tpu.memory_space<semaphore_mem>>
          %dma_start3A_89 = tpu.memref_slice %arg4[%add3A_72] : memref<327680xi32, #tpu.memory_space<hbm>> -> memref<128xi32, #tpu.memory_space<hbm>>
          %dma_start3A_90 = tpu.memref_slice %arg4[%add3A_72] : memref<327680xi32, #tpu.memory_space<hbm>> -> memref<128xi32, #tpu.memory_space<hbm>>
          tpu.enqueue_dma source(%dma_start3A_90 : memref<128xi32, #tpu.memory_space<hbm>>) target(%arg10 : memref<128xi32, #tpu.memory_space<vmem>>) target_semaphore(%run_scoped3A : memref<!tpu.dma_semaphore, #tpu.memory_space<semaphore_mem>>)
          %dma_wait3A_91 = tpu.memref_slice %arg4[%add3A_72] : memref<327680xi32, #tpu.memory_space<hbm>> -> memref<128xi32, #tpu.memory_space<hbm>>
          %dma_wait3A_92 = tpu.memref_slice %arg4[%add3A_72] : memref<327680xi32, #tpu.memory_space<hbm>> -> memref<128xi32, #tpu.memory_space<hbm>>
          tpu.wait_dma2 semaphore(%run_scoped3A : memref<!tpu.dma_semaphore, #tpu.memory_space<semaphore_mem>>) src(%dma_wait3A_92 : memref<128xi32, #tpu.memory_space<hbm>>) dst(%arg10 : memref<128xi32, #tpu.memory_space<vmem>>)
          tpu.yield
        }) : () -> ()
        %dma_start3A_86 = arith.constant 0 : i32
        %dma_start3A_87 = arith.constant 0 : i32
        %dma_start3A_88 = tpu.memref_slice %arg2[%dma_start3A_86, %dma_start3A_87] : memref<10000x128xf32, #tpu.memory_space<hbm>> -> memref<10000x128xf32, #tpu.memory_space<hbm>>
        tpu.enqueue_indirect_dma source(%dma_start3A_88 : memref<10000x128xf32, #tpu.memory_space<hbm>>) target(%arg12 : memref<128x128xf32, #tpu.memory_space<vmem>>) offsets(%arg8 : memref<128xi32, #tpu.memory_space<vmem>>) semaphore(%arg15 : memref<!tpu.dma_semaphore, #tpu.memory_space<semaphore_mem>>)
      } else {
      }
    }
    %scan3A_24 = arith.constant 40 : i32
    %barrier3A_25 = arith.constant 0 : index
    tpu.barrier barrier_id(%barrier3A_25)
    %mul3A_26 = arith.constant 640 : i32
    %mul3A_27 = arith.muli %arg1, %mul3A_26 : i32
    %mul3A_28 = arith.constant 10240 : i32
    %mul3A_29 = arith.muli %arg0, %mul3A_28 : i32
    %mul3A_30 = arith.constant 640 : i32
    %mul3A_31 = arith.muli %arg1, %mul3A_30 : i32
    %add3A_32 = arith.addi %mul3A_29, %mul3A_31 : i32
    "tpu.region"() ({
      %run_scoped3A = tpu.sem_alloc : memref<!tpu.dma_semaphore, #tpu.memory_space<semaphore_mem>>
      %dma_start3A_33 = arith.constant 0 : i32
      %dma_start3A_34 = tpu.memref_slice %arg6[%add3A_32, %dma_start3A_33] : memref<20480x128xf32, #tpu.memory_space<hbm>> -> memref<640x128xf32, #tpu.memory_space<hbm>>
      %dma_start3A_35 = arith.constant 0 : i32
      %dma_start3A_36 = tpu.memref_slice %arg13[%mul3A_27, %dma_start3A_35] : memref<10240x128xf32, #tpu.memory_space<vmem_shared>> -> memref<640x128xf32, #tpu.memory_space<vmem_shared>>
      tpu.enqueue_dma source(%dma_start3A_36 : memref<640x128xf32, #tpu.memory_space<vmem_shared>>) target(%dma_start3A_34 : memref<640x128xf32, #tpu.memory_space<hbm>>) target_semaphore(%run_scoped3A : memref<!tpu.dma_semaphore, #tpu.memory_space<semaphore_mem>>)
      %dma_wait3A = arith.constant 0 : i32
      %dma_wait3A_37 = tpu.memref_slice %arg6[%add3A_32, %dma_wait3A] : memref<20480x128xf32, #tpu.memory_space<hbm>> -> memref<640x128xf32, #tpu.memory_space<hbm>>
      %dma_wait3A_38 = arith.constant 0 : i32
      %dma_wait3A_39 = tpu.memref_slice %arg13[%mul3A_27, %dma_wait3A_38] : memref<10240x128xf32, #tpu.memory_space<vmem_shared>> -> memref<640x128xf32, #tpu.memory_space<vmem_shared>>
      tpu.wait_dma2 semaphore(%run_scoped3A : memref<!tpu.dma_semaphore, #tpu.memory_space<semaphore_mem>>) src(%dma_wait3A_39 : memref<640x128xf32, #tpu.memory_space<vmem_shared>>) dst(%dma_wait3A_37 : memref<640x128xf32, #tpu.memory_space<hbm>>)
      tpu.yield
    }) : () -> ()
    return
  }
}

module attributes {stable_mosaic.version = 14 : i64} {
  func.func @_lay_body(%arg0: i32, %arg1: memref<2x1000x128xf32, #tpu.memory_space<vmem>>, %arg2: memref<1000x128xf32, #tpu.memory_space<vmem>>, %arg3: memref<1000x1xf32, #tpu.memory_space<vmem>>, %arg4: memref<1x128xf32, #tpu.memory_space<vmem>>, %arg5: memref<1x128xf32, #tpu.memory_space<vmem>>, %arg6: memref<128x128xf32, #tpu.memory_space<vmem>>, %arg7: memref<1000x128xf32, #tpu.memory_space<vmem>>) attributes {dimension_semantics = [#tpu.dimension_semantics<arbitrary>], iteration_bounds = array<i64: 10>, scalar_prefetch = 0 : i64, scratch_operands = 0 : i64, tpu.core_type = #tpu.core_type<tc>, window_params = [{transform_indices = @transform_0, window_bounds = array<i64: 2, 1000, 128>}, {transform_indices = @transform_1, window_bounds = array<i64: 1000, 128>}, {transform_indices = @transform_2, window_bounds = array<i64: 1000, 1>}, {pipeline_mode = #tpu.pipeline_mode<synchronous>, transform_indices = @transform_3, window_bounds = array<i64: 1, 128>}, {pipeline_mode = #tpu.pipeline_mode<synchronous>, transform_indices = @transform_4, window_bounds = array<i64: 1, 128>}, {pipeline_mode = #tpu.pipeline_mode<synchronous>, transform_indices = @transform_5, window_bounds = array<i64: 128, 128>}, {transform_indices = @transform_6, window_bounds = array<i64: 1000, 128>}]} {
    %get3A = arith.constant 0 : index
    %get3A_0 = arith.constant 0 : index
    %get3A_1 = vector.load %arg3[%get3A, %get3A_0] : memref<1000x1xf32, #tpu.memory_space<vmem>>, vector<1000x1xf32>
    %get3A_2 = arith.constant 0 : index
    %get3A_3 = arith.constant 0 : index
    %get3A_4 = vector.load %arg5[%get3A_2, %get3A_3] : memref<1x128xf32, #tpu.memory_space<vmem>>, vector<1x128xf32>
    %get3A_5 = arith.constant 0 : index
    %get3A_6 = arith.constant 0 : index
    %get3A_7 = arith.constant 0 : index
    %get3A_8 = vector.load %arg1[%get3A_5, %get3A_6, %get3A_7] : memref<2x1000x128xf32, #tpu.memory_space<vmem>>, vector<1x1000x128xf32>
    %get3A_9 = vector.shape_cast %get3A_8 : vector<1x1000x128xf32> to vector<1000x128xf32>
    %get3A_10 = arith.constant 0 : index
    %get3A_11 = arith.constant 0 : index
    %get3A_12 = vector.load %arg2[%get3A_10, %get3A_11] : memref<1000x128xf32, #tpu.memory_space<vmem>>, vector<1000x128xf32>
    %add3A = arith.addf %get3A_9, %get3A_12 : vector<1000x128xf32>
    %get3A_13 = arith.constant 1 : index
    %get3A_14 = arith.constant 0 : index
    %get3A_15 = arith.constant 0 : index
    %get3A_16 = vector.load %arg1[%get3A_13, %get3A_14, %get3A_15] : memref<2x1000x128xf32, #tpu.memory_space<vmem>>, vector<1x1000x128xf32>
    %get3A_17 = vector.shape_cast %get3A_16 : vector<1x1000x128xf32> to vector<1000x128xf32>
    %add3A_18 = arith.addf %add3A, %get3A_17 : vector<1000x128xf32>
    %mul3A = vector.broadcast %get3A_1 : vector<1000x1xf32> to vector<1000x128xf32>
    %mul3A_19 = arith.mulf %mul3A, %add3A_18 : vector<1000x128xf32>
    %get3A_20 = arith.constant 0 : index
    %get3A_21 = arith.constant 0 : index
    %get3A_22 = vector.load %arg4[%get3A_20, %get3A_21] : memref<1x128xf32, #tpu.memory_space<vmem>>, vector<1x128xf32>
    %add3A_23 = vector.broadcast %get3A_22 : vector<1x128xf32> to vector<1000x128xf32>
    %add3A_24 = arith.addf %mul3A_19, %add3A_23 : vector<1000x128xf32>
    %max3A = arith.constant 0.000000e+00 : f32
    %max3A_25 = vector.broadcast %max3A : f32 to vector<1000x128xf32>
    %max3A_26 = arith.maximumf %add3A_24, %max3A_25 : vector<1000x128xf32>
    %mul3A_27 = vector.broadcast %get3A_4 : vector<1x128xf32> to vector<1000x128xf32>
    %mul3A_28 = arith.mulf %mul3A_27, %max3A_26 : vector<1000x128xf32>
    %sub3A = arith.constant 1.000000e+00 : f32
    %sub3A_29 = vector.broadcast %sub3A : f32 to vector<1x128xf32>
    %sub3A_30 = arith.subf %sub3A_29, %get3A_4 : vector<1x128xf32>
    %mul3A_31 = vector.broadcast %sub3A_30 : vector<1x128xf32> to vector<1000x128xf32>
    %mul3A_32 = arith.mulf %mul3A_31, %add3A_24 : vector<1000x128xf32>
    %add3A_33 = arith.addf %mul3A_28, %mul3A_32 : vector<1000x128xf32>
    %mul3A_34 = vector.broadcast %get3A_4 : vector<1x128xf32> to vector<1000x128xf32>
    %mul3A_35 = vector.broadcast %get3A_1 : vector<1000x1xf32> to vector<1000x128xf32>
    %mul3A_36 = arith.mulf %mul3A_34, %mul3A_35 : vector<1000x128xf32>
    %sub3A_37 = arith.constant 1.000000e+00 : f32
    %sub3A_38 = vector.broadcast %sub3A_37 : f32 to vector<1x128xf32>
    %sub3A_39 = arith.subf %sub3A_38, %get3A_4 : vector<1x128xf32>
    %add3A_40 = vector.broadcast %sub3A_39 : vector<1x128xf32> to vector<1000x128xf32>
    %add3A_41 = arith.addf %mul3A_36, %add3A_40 : vector<1000x128xf32>
    %get3A_42 = arith.constant 0 : index
    %get3A_43 = arith.constant 0 : index
    %get3A_44 = vector.load %arg6[%get3A_42, %get3A_43] : memref<128x128xf32, #tpu.memory_space<vmem>>, vector<128x128xf32>
    %dot_general3A = arith.constant dense<0.000000e+00> : vector<1000x128xf32>
    %dot_general3A_45 = tpu.matmul %add3A_33, %get3A_44, %dot_general3A {dimension_numbers = #tpu.dot_dimension_numbers<[1], [0], [0], [1], [0, 0, 1, 1], [], []>, transpose_lhs_hint = false} : vector<1000x128xf32>, vector<128x128xf32>, vector<1000x128xf32> -> vector<1000x128xf32>
    %mul3A_46 = arith.mulf %add3A_41, %dot_general3A_45 : vector<1000x128xf32>
    %swap3A = arith.constant 0 : index
    %swap3A_47 = arith.constant 0 : index
    %swap3A_48 = vector.load %arg7[%swap3A, %swap3A_47] : memref<1000x128xf32, #tpu.memory_space<vmem>>, vector<1000x128xf32>
    tpu.vector_store %arg7[%swap3A, %swap3A_47], %mul3A_46 {strides = array<i32>} : memref<1000x128xf32, #tpu.memory_space<vmem>>, vector<1000x128xf32>,
    return
  }
  func.func @transform_0(%arg0: i32) -> (i32, i32, i32) {
    %c0_i32 = arith.constant 0 : i32
    %c0_i32_0 = arith.constant 0 : i32
    %c0_i32_1 = arith.constant 0 : i32
    return %c0_i32, %arg0, %c0_i32_0 : i32, i32, i32
  }
  func.func @transform_1(%arg0: i32) -> (i32, i32) {
    %c0_i32 = arith.constant 0 : i32
    %c0_i32_0 = arith.constant 0 : i32
    return %arg0, %c0_i32 : i32, i32
  }
  func.func @transform_2(%arg0: i32) -> (i32, i32) {
    %c0_i32 = arith.constant 0 : i32
    %c0_i32_0 = arith.constant 0 : i32
    return %arg0, %c0_i32 : i32, i32
  }
  func.func @transform_3(%arg0: i32) -> (i32, i32) {
    %c0_i32 = arith.constant 0 : i32
    %c0_i32_0 = arith.constant 0 : i32
    %c0_i32_1 = arith.constant 0 : i32
    return %c0_i32, %c0_i32_0 : i32, i32
  }
  func.func @transform_4(%arg0: i32) -> (i32, i32) {
    %c0_i32 = arith.constant 0 : i32
    %c0_i32_0 = arith.constant 0 : i32
    %c0_i32_1 = arith.constant 0 : i32
    return %c0_i32, %c0_i32_0 : i32, i32
  }
  func.func @transform_5(%arg0: i32) -> (i32, i32) {
    %c0_i32 = arith.constant 0 : i32
    %c0_i32_0 = arith.constant 0 : i32
    %c0_i32_1 = arith.constant 0 : i32
    return %c0_i32, %c0_i32_0 : i32, i32
  }
  func.func @transform_6(%arg0: i32) -> (i32, i32) {
    %c0_i32 = arith.constant 0 : i32
    %c0_i32_0 = arith.constant 0 : i32
    return %arg0, %c0_i32 : i32, i32
  }
}

module attributes {stable_mosaic.version = 14 : i64} {
  func.func @_mm1_body(%arg0: i32, %arg1: memref<2x1000x16xf32, #tpu.memory_space<vmem>>, %arg2: memref<1000x128xf32, #tpu.memory_space<vmem>>, %arg3: memref<128x128xf32, #tpu.memory_space<vmem>>, %arg4: memref<1000x128xf32, #tpu.memory_space<vmem>>, %arg5: memref<1000x1xf32, #tpu.memory_space<vmem>>) attributes {dimension_semantics = [#tpu.dimension_semantics<arbitrary>], iteration_bounds = array<i64: 10>, scalar_prefetch = 0 : i64, scratch_operands = 0 : i64, tpu.core_type = #tpu.core_type<tc>, window_params = [{transform_indices = @transform_0, window_bounds = array<i64: 2, 1000, 16>}, {transform_indices = @transform_1, window_bounds = array<i64: 1000, 128>}, {pipeline_mode = #tpu.pipeline_mode<synchronous>, transform_indices = @transform_2, window_bounds = array<i64: 128, 128>}, {transform_indices = @transform_3, window_bounds = array<i64: 1000, 128>}, {transform_indices = @transform_4, window_bounds = array<i64: 1000, 1>}]} {
    %get3A = arith.constant 0 : index
    %get3A_0 = arith.constant 0 : index
    %get3A_1 = arith.constant 0 : index
    %get3A_2 = vector.load %arg1[%get3A, %get3A_0, %get3A_1] : memref<2x1000x16xf32, #tpu.memory_space<vmem>>, vector<1x1000x1xf32>
    %get3A_3 = vector.shape_cast %get3A_2 : vector<1x1000x1xf32> to vector<1000x1xf32>
    %add3A = arith.constant 1.000000e+00 : f32
    %add3A_4 = vector.broadcast %add3A : f32 to vector<1000x1xf32>
    %add3A_5 = arith.addf %get3A_3, %add3A_4 : vector<1000x1xf32>
    %get3A_6 = arith.constant 1 : index
    %get3A_7 = arith.constant 0 : index
    %get3A_8 = arith.constant 0 : index
    %get3A_9 = vector.load %arg1[%get3A_6, %get3A_7, %get3A_8] : memref<2x1000x16xf32, #tpu.memory_space<vmem>>, vector<1x1000x1xf32>
    %get3A_10 = vector.shape_cast %get3A_9 : vector<1x1000x1xf32> to vector<1000x1xf32>
    %add3A_11 = arith.addf %add3A_5, %get3A_10 : vector<1000x1xf32>
    %rsqrt3A = math.rsqrt %add3A_11 : vector<1000x1xf32>
    %get3A_12 = arith.constant 0 : index
    %get3A_13 = arith.constant 0 : index
    %get3A_14 = vector.load %arg2[%get3A_12, %get3A_13] : memref<1000x128xf32, #tpu.memory_space<vmem>>, vector<1000x128xf32>
    %get3A_15 = arith.constant 0 : index
    %get3A_16 = arith.constant 0 : index
    %get3A_17 = vector.load %arg3[%get3A_15, %get3A_16] : memref<128x128xf32, #tpu.memory_space<vmem>>, vector<128x128xf32>
    %dot_general3A = arith.constant dense<0.000000e+00> : vector<1000x128xf32>
    %dot_general3A_18 = tpu.matmul %get3A_14, %get3A_17, %dot_general3A {dimension_numbers = #tpu.dot_dimension_numbers<[1], [0], [0], [1], [0, 0, 1, 1], [], []>, transpose_lhs_hint = false} : vector<1000x128xf32>, vector<128x128xf32>, vector<1000x128xf32> -> vector<1000x128xf32>
    %mul3A = vector.broadcast %rsqrt3A : vector<1000x1xf32> to vector<1000x128xf32>
    %mul3A_19 = arith.mulf %mul3A, %dot_general3A_18 : vector<1000x128xf32>
    %swap3A = arith.constant 0 : index
    %swap3A_20 = arith.constant 0 : index
    %swap3A_21 = vector.load %arg4[%swap3A, %swap3A_20] : memref<1000x128xf32, #tpu.memory_space<vmem>>, vector<1000x128xf32>
    tpu.vector_store %arg4[%swap3A, %swap3A_20], %mul3A_19 {strides = array<i32>} : memref<1000x128xf32, #tpu.memory_space<vmem>>, vector<1000x128xf32>,
    %swap3A_22 = arith.constant 0 : index
    %swap3A_23 = arith.constant 0 : index
    %swap3A_24 = vector.load %arg5[%swap3A_22, %swap3A_23] : memref<1000x1xf32, #tpu.memory_space<vmem>>, vector<1000x1xf32>
    tpu.vector_store %arg5[%swap3A_22, %swap3A_23], %rsqrt3A {strides = array<i32>} : memref<1000x1xf32, #tpu.memory_space<vmem>>, vector<1000x1xf32>,
    return
  }
  func.func @transform_0(%arg0: i32) -> (i32, i32, i32) {
    %c0_i32 = arith.constant 0 : i32
    %c0_i32_0 = arith.constant 0 : i32
    %c0_i32_1 = arith.constant 0 : i32
    return %c0_i32, %arg0, %c0_i32_0 : i32, i32, i32
  }
  func.func @transform_1(%arg0: i32) -> (i32, i32) {
    %c0_i32 = arith.constant 0 : i32
    %c0_i32_0 = arith.constant 0 : i32
    return %arg0, %c0_i32 : i32, i32
  }
  func.func @transform_2(%arg0: i32) -> (i32, i32) {
    %c0_i32 = arith.constant 0 : i32
    %c0_i32_0 = arith.constant 0 : i32
    %c0_i32_1 = arith.constant 0 : i32
    return %c0_i32, %c0_i32_0 : i32, i32
  }
  func.func @transform_3(%arg0: i32) -> (i32, i32) {
    %c0_i32 = arith.constant 0 : i32
    %c0_i32_0 = arith.constant 0 : i32
    return %arg0, %c0_i32 : i32, i32
  }
  func.func @transform_4(%arg0: i32) -> (i32, i32) {
    %c0_i32 = arith.constant 0 : i32
    %c0_i32_0 = arith.constant 0 : i32
    return %arg0, %c0_i32 : i32, i32
  }
}

module attributes {stable_mosaic.version = 14 : i64} {
  func.func @_lay_body(%arg0: i32, %arg1: memref<2x1000x128xf32, #tpu.memory_space<vmem>>, %arg2: memref<1000x128xf32, #tpu.memory_space<vmem>>, %arg3: memref<1000x1xf32, #tpu.memory_space<vmem>>, %arg4: memref<1x128xf32, #tpu.memory_space<vmem>>, %arg5: memref<1x128xf32, #tpu.memory_space<vmem>>, %arg6: memref<128x128xf32, #tpu.memory_space<vmem>>, %arg7: memref<1000x128xf32, #tpu.memory_space<vmem>>) attributes {dimension_semantics = [#tpu.dimension_semantics<arbitrary>], iteration_bounds = array<i64: 10>, scalar_prefetch = 0 : i64, scratch_operands = 0 : i64, tpu.core_type = #tpu.core_type<tc>, window_params = [{transform_indices = @transform_0, window_bounds = array<i64: 2, 1000, 128>}, {transform_indices = @transform_1, window_bounds = array<i64: 1000, 128>}, {transform_indices = @transform_2, window_bounds = array<i64: 1000, 1>}, {pipeline_mode = #tpu.pipeline_mode<synchronous>, transform_indices = @transform_3, window_bounds = array<i64: 1, 128>}, {pipeline_mode = #tpu.pipeline_mode<synchronous>, transform_indices = @transform_4, window_bounds = array<i64: 1, 128>}, {pipeline_mode = #tpu.pipeline_mode<synchronous>, transform_indices = @transform_5, window_bounds = array<i64: 128, 128>}, {transform_indices = @transform_6, window_bounds = array<i64: 1000, 128>}]} {
    %get3A = arith.constant 0 : index
    %get3A_0 = arith.constant 0 : index
    %get3A_1 = vector.load %arg3[%get3A, %get3A_0] : memref<1000x1xf32, #tpu.memory_space<vmem>>, vector<1000x1xf32>
    %get3A_2 = arith.constant 0 : index
    %get3A_3 = arith.constant 0 : index
    %get3A_4 = vector.load %arg5[%get3A_2, %get3A_3] : memref<1x128xf32, #tpu.memory_space<vmem>>, vector<1x128xf32>
    %get3A_5 = arith.constant 0 : index
    %get3A_6 = arith.constant 0 : index
    %get3A_7 = arith.constant 0 : index
    %get3A_8 = vector.load %arg1[%get3A_5, %get3A_6, %get3A_7] : memref<2x1000x128xf32, #tpu.memory_space<vmem>>, vector<1x1000x128xf32>
    %get3A_9 = vector.shape_cast %get3A_8 : vector<1x1000x128xf32> to vector<1000x128xf32>
    %get3A_10 = arith.constant 0 : index
    %get3A_11 = arith.constant 0 : index
    %get3A_12 = vector.load %arg2[%get3A_10, %get3A_11] : memref<1000x128xf32, #tpu.memory_space<vmem>>, vector<1000x128xf32>
    %add3A = arith.addf %get3A_9, %get3A_12 : vector<1000x128xf32>
    %get3A_13 = arith.constant 1 : index
    %get3A_14 = arith.constant 0 : index
    %get3A_15 = arith.constant 0 : index
    %get3A_16 = vector.load %arg1[%get3A_13, %get3A_14, %get3A_15] : memref<2x1000x128xf32, #tpu.memory_space<vmem>>, vector<1x1000x128xf32>
    %get3A_17 = vector.shape_cast %get3A_16 : vector<1x1000x128xf32> to vector<1000x128xf32>
    %add3A_18 = arith.addf %add3A, %get3A_17 : vector<1000x128xf32>
    %mul3A = vector.broadcast %get3A_1 : vector<1000x1xf32> to vector<1000x128xf32>
    %mul3A_19 = arith.mulf %mul3A, %add3A_18 : vector<1000x128xf32>
    %get3A_20 = arith.constant 0 : index
    %get3A_21 = arith.constant 0 : index
    %get3A_22 = vector.load %arg4[%get3A_20, %get3A_21] : memref<1x128xf32, #tpu.memory_space<vmem>>, vector<1x128xf32>
    %add3A_23 = vector.broadcast %get3A_22 : vector<1x128xf32> to vector<1000x128xf32>
    %add3A_24 = arith.addf %mul3A_19, %add3A_23 : vector<1000x128xf32>
    %max3A = arith.constant 0.000000e+00 : f32
    %max3A_25 = vector.broadcast %max3A : f32 to vector<1000x128xf32>
    %max3A_26 = arith.maximumf %add3A_24, %max3A_25 : vector<1000x128xf32>
    %mul3A_27 = vector.broadcast %get3A_4 : vector<1x128xf32> to vector<1000x128xf32>
    %mul3A_28 = arith.mulf %mul3A_27, %max3A_26 : vector<1000x128xf32>
    %sub3A = arith.constant 1.000000e+00 : f32
    %sub3A_29 = vector.broadcast %sub3A : f32 to vector<1x128xf32>
    %sub3A_30 = arith.subf %sub3A_29, %get3A_4 : vector<1x128xf32>
    %mul3A_31 = vector.broadcast %sub3A_30 : vector<1x128xf32> to vector<1000x128xf32>
    %mul3A_32 = arith.mulf %mul3A_31, %add3A_24 : vector<1000x128xf32>
    %add3A_33 = arith.addf %mul3A_28, %mul3A_32 : vector<1000x128xf32>
    %mul3A_34 = vector.broadcast %get3A_4 : vector<1x128xf32> to vector<1000x128xf32>
    %mul3A_35 = vector.broadcast %get3A_1 : vector<1000x1xf32> to vector<1000x128xf32>
    %mul3A_36 = arith.mulf %mul3A_34, %mul3A_35 : vector<1000x128xf32>
    %sub3A_37 = arith.constant 1.000000e+00 : f32
    %sub3A_38 = vector.broadcast %sub3A_37 : f32 to vector<1x128xf32>
    %sub3A_39 = arith.subf %sub3A_38, %get3A_4 : vector<1x128xf32>
    %add3A_40 = vector.broadcast %sub3A_39 : vector<1x128xf32> to vector<1000x128xf32>
    %add3A_41 = arith.addf %mul3A_36, %add3A_40 : vector<1000x128xf32>
    %get3A_42 = arith.constant 0 : index
    %get3A_43 = arith.constant 0 : index
    %get3A_44 = vector.load %arg6[%get3A_42, %get3A_43] : memref<128x128xf32, #tpu.memory_space<vmem>>, vector<128x128xf32>
    %dot_general3A = arith.constant dense<0.000000e+00> : vector<1000x128xf32>
    %dot_general3A_45 = tpu.matmul %add3A_33, %get3A_44, %dot_general3A {dimension_numbers = #tpu.dot_dimension_numbers<[1], [0], [0], [1], [0, 0, 1, 1], [], []>, transpose_lhs_hint = false} : vector<1000x128xf32>, vector<128x128xf32>, vector<1000x128xf32> -> vector<1000x128xf32>
    %mul3A_46 = arith.mulf %add3A_41, %dot_general3A_45 : vector<1000x128xf32>
    %swap3A = arith.constant 0 : index
    %swap3A_47 = arith.constant 0 : index
    %swap3A_48 = vector.load %arg7[%swap3A, %swap3A_47] : memref<1000x128xf32, #tpu.memory_space<vmem>>, vector<1000x128xf32>
    tpu.vector_store %arg7[%swap3A, %swap3A_47], %mul3A_46 {strides = array<i32>} : memref<1000x128xf32, #tpu.memory_space<vmem>>, vector<1000x128xf32>,
    return
  }
  func.func @transform_0(%arg0: i32) -> (i32, i32, i32) {
    %c0_i32 = arith.constant 0 : i32
    %c0_i32_0 = arith.constant 0 : i32
    %c0_i32_1 = arith.constant 0 : i32
    return %c0_i32, %arg0, %c0_i32_0 : i32, i32, i32
  }
  func.func @transform_1(%arg0: i32) -> (i32, i32) {
    %c0_i32 = arith.constant 0 : i32
    %c0_i32_0 = arith.constant 0 : i32
    return %arg0, %c0_i32 : i32, i32
  }
  func.func @transform_2(%arg0: i32) -> (i32, i32) {
    %c0_i32 = arith.constant 0 : i32
    %c0_i32_0 = arith.constant 0 : i32
    return %arg0, %c0_i32 : i32, i32
  }
  func.func @transform_3(%arg0: i32) -> (i32, i32) {
    %c0_i32 = arith.constant 0 : i32
    %c0_i32_0 = arith.constant 0 : i32
    %c0_i32_1 = arith.constant 0 : i32
    return %c0_i32, %c0_i32_0 : i32, i32
  }
  func.func @transform_4(%arg0: i32) -> (i32, i32) {
    %c0_i32 = arith.constant 0 : i32
    %c0_i32_0 = arith.constant 0 : i32
    %c0_i32_1 = arith.constant 0 : i32
    return %c0_i32, %c0_i32_0 : i32, i32
  }
  func.func @transform_5(%arg0: i32) -> (i32, i32) {
    %c0_i32 = arith.constant 0 : i32
    %c0_i32_0 = arith.constant 0 : i32
    %c0_i32_1 = arith.constant 0 : i32
    return %c0_i32, %c0_i32_0 : i32, i32
  }
  func.func @transform_6(%arg0: i32) -> (i32, i32) {
    %c0_i32 = arith.constant 0 : i32
    %c0_i32_0 = arith.constant 0 : i32
    return %arg0, %c0_i32 : i32, i32
  }
}

</mosaic_0001>

<sc_bundles>
// kernel: kernel.10.cloned.1.call-start
scs
__scs_entry_jumppad:
0x0: {  	(pc) =	sbr.rel $0x88, $3  }
0x1: {  	(tag) =	ssettag $0x0;
	lr =	simm.s32 $0x1  }
0x2: {  	[smem:$0x3F99] =	sst lr;
	_ =	strace $0xD0000000  }
0x3: {  	_ = 	snop  }
0x4: {  	_ = 	snop  }
0x5: {  	_ = 	snop  }
0x6: {  	_ = 	snop  }
0x7: {  	_ = 	snop  }
__scs_overlays_trampoline_lowered:
0x8: {  	[smem:$0x3FA8] =	sst s0  }
0x9: {  	[smem:$0x3FA9] =	sst s1  }
0xa: {  	[smem:$0x3FAA] =	sst s2  }
0xb: {  	[smem:$0x3FAB] =	sst s3  }
0xc: {  	[smem:$0x3FAC] =	sst s4  }
0xd: {  	[smem:$0x3FAD] =	sst s5  }
0xe: {  	[smem:$0x3FAE] =	sst s6  }
0xf: {  	[smem:$0x3FAF] =	sst s7  }
0x10: {  	[smem:$0x3FB0] =	sst s8  }
0x11: {  	[smem:$0x3FB1] =	sst s9;
	s0 =	simm.s32 @!p0 $0x0  }
0x12: {  	s1 =	sld [smem:$0x3F97];
	s0 =	simm.s32 @p0 $0x1  }
0x13: {  	[smem:$0x3FB2] =	sst s0;
	s0 =	simm.s32 @!p1 $0x0  }
0x14: {  	s2 =	sld [smem:$0x3F96];
	s0 =	simm.s32 @p1 $0x1  }
0x15: {  	[smem:$0x3FB3] =	sst s0;
	s0 =	simm.s32 @!p2 $0x0  }
0x16: {  	s3 =	sld [smem:$0x3FDB];
	s0 =	simm.s32 @p2 $0x1  }
0x17: {  	s4 =	simm.s32 $0x1BF5;
	[smem:$0x3FB5] =	sst s0  }
0x18: {  	s0 =	sld [smem:$0x3F98];
	_ =	swait.ge [sflag:s4], $0x0  }
0x19: {  	s7 =	sld [smem:$0x3F99]  }
0x1a: {  	s8 =	sadd.s32 $0xFFFFE003, lr  }
0x1b: {  	s9 =	sadd.s32 $0xFFFFFEF7, lr;
	s5 =	simm.s32 $0xFFFFFFFF;
	p2 =	slt.u32 s8, $0xFFFFF086  }
0x1c: {  	p1 =	slt.u32 s9, $0xF7A;
	s5 =	simm.s32 @!p2 $0x0  }
0x1d: {  	s5 =	simm.s32 @p1 $0x1;
	p0 =	seq.s32 s7, s2  }
0x1e: {  	s7 =	smul.u32 @!p0 $0xF7A, s2;
	p2 =	seq.s32 @!p0 s5, $0x0  }
0x1f: {  	s9 =	smul.u32 $0xF7A, s1;
	s8 =	simm.s32 @!p0 $0x1BF5;
	p2 =	por !p2, p0  }
0x20: {  	[sflag:s8] =	ssyncset.s32 @!p0 $0xFFFFF086;
	s6 =	sadd.s32 @!p0 s3, s7;
	s7 =	simm.s32 @!p0 $0x108  }
0x21: {  	s3 =	sadd.s32 s3, s9;
	s6 =	sadd.s32 @!p0 $0x88, s6;
	s7 =	simm.s32 @p2 $0x1082  }
0x22: {  	[simem:s7], [sflag:s8] =	dma.local @!p0 [hbm:s6], $0xF7A  }
0x23: {  	s9 =	sor.u32 $0xD0000000, s2;
	s6 =	simm.s32 $0x108;
	_ =	swait.ge @!p0 [sflag:s8], $0x0  }
0x24: {  	s3 =	sadd.s32 $0x88, s3;
	s6 =	simm.s32 @!p1 $0x1082;
	[sflag:s4] =	ssyncset.s32 $0xFFFFF086  }
0x25: {  	[simem:s6], [sflag:s4] =	dma.local [hbm:s3], $0xF7A  }
0x26: {  	[smem:$0x3F99] =	sst s1;
	(tag) =	ssettag s2;
	_ =	strace s9  }
0x27: {  	s1 =	sld [smem:$0x3FA9]  }
0x28: {  	s2 =	sld [smem:$0x3FAA]  }
0x29: {  	s4 =	sld [smem:$0x3FAC]  }
0x2a: {  	p0 =	seq.s32 s5, $0x0;
	s5 =	sld [smem:$0x3FAD]  }
0x2b: {  	s6 =	sld [smem:$0x3FAE]  }
0x2c: {  	s7 =	sld [smem:$0x3FAF]  }
0x2d: {  	s3 =	simm.s32 $0x108;
	s8 =	sld [smem:$0x3FB0]  }
0x2e: {  	s3 =	simm.s32 @!p0 $0x1082;
	s9 =	sld [smem:$0x3FB1]  }
0x2f: {  	lr =	sadd.s32 s0, s3;
	s0 =	sld [smem:$0x3FA8]  }
0x30: {  	s3 =	sld [smem:$0x3FAB]  }
0x31: {  	[smem:$0x3FB4] =	sst s10  }
0x32: {  	s10 =	sld [smem:$0x3FB2];
	_ =	sdelay $0x3  }
0x33: {  	p0 =	seq.s32 s10, $0x1;
	s10 =	sld [smem:$0x3FB4];
	_ =	sdelay $0x3  }
0x34: {  	[smem:$0x3FB4] =	sst s10  }
0x35: {  	s10 =	sld [smem:$0x3FB3];
	_ =	sdelay $0x3  }
0x36: {  	p1 =	seq.s32 s10, $0x1;
	s10 =	sld [smem:$0x3FB4];
	_ =	sdelay $0x3  }
0x37: {  	[smem:$0x3FB4] =	sst s10  }
0x38: {  	s10 =	sld [smem:$0x3FB5]  }
0x39: {  	_ = 	snop;
	(pc) =	sbr.ind lr, $3  }
0x3a: {  	_ = 	snop  }
0x3b: {  	_ = 	snop  }
0x3c: {  	p2 =	seq.s32 s10, $0x1;
	s10 =	sld [smem:$0x3FB4]  }
0x3d: {  	_ =	shalt  }
0x3e: {  	_ =	shalt  }
0x3f: {  	_ =	shalt  }
0x40: {  	_ =	shalt  }
0x41: {  	_ =	shalt  }
0x42: {  	_ =	shalt  }
0x43: {  	_ =	shalt  }
0x44: {  	_ =	shalt  }
0x45: {  	_ =	shalt  }
0x46: {  	_ =	shalt  }
0x47: {  	_ =	shalt  }
0x48: {  	_ =	shalt  }
0x49: {  	_ =	shalt  }
0x4a: {  	_ =	shalt  }
0x4b: {  	_ =	shalt  }
0x4c: {  	_ =	shalt  }
0x4d: {  	_ =	shalt  }
0x4e: {  	_ =	shalt  }
0x4f: {  	_ =	shalt  }
0x50: {  	_ =	shalt  }
0x51: {  	_ =	shalt  }
0x52: {  	_ =	shalt  }
0x53: {  	_ =	shalt  }
0x54: {  	_ =	shalt  }
0x55: {  	_ =	shalt  }
0x56: {  	_ =	shalt  }
0x57: {  	_ =	shalt  }
0x58: {  	_ =	shalt  }
0x59: {  	_ =	shalt  }
0x5a: {  	_ =	shalt  }
0x5b: {  	_ =	shalt  }
0x5c: {  	_ =	shalt  }
0x5d: {  	_ =	shalt  }
0x5e: {  	_ =	shalt  }
0x5f: {  	_ =	shalt  }
0x60: {  	_ =	shalt  }
0x61: {  	_ =	shalt  }
0x62: {  	_ =	shalt  }
0x63: {  	_ =	shalt  }
0x64: {  	_ =	shalt  }
0x65: {  	_ =	shalt  }
0x66: {  	_ =	shalt  }
0x67: {  	_ =	shalt  }
0x68: {  	_ =	shalt  }
0x69: {  	_ =	shalt  }
0x6a: {  	_ =	shalt  }
0x6b: {  	_ =	shalt  }
0x6c: {  	_ =	shalt  }
0x6d: {  	_ =	shalt  }
0x6e: {  	_ =	shalt  }
0x6f: {  	_ =	shalt  }
0x70: {  	_ =	shalt  }
0x71: {  	_ =	shalt  }
0x72: {  	_ =	shalt  }
0x73: {  	_ =	shalt  }
0x74: {  	_ =	shalt  }
0x75: {  	_ =	shalt  }
0x76: {  	_ =	shalt  }
0x77: {  	_ =	shalt  }
0x78: {  	_ =	shalt  }
0x79: {  	_ =	shalt  }
0x7a: {  	_ =	shalt  }
0x7b: {  	_ =	shalt  }
0x7c: {  	_ =	shalt  }
0x7d: {  	_ =	shalt  }
0x7e: {  	_ =	shalt  }
0x7f: {  	_ =	shalt  }
0x80: {  	_ =	shalt  }
0x81: {  	_ =	shalt  }
0x82: {  	_ =	shalt  }
0x83: {  	_ =	shalt  }
0x84: {  	_ =	shalt  }
0x85: {  	_ =	shalt  }
0x86: {  	_ =	shalt  }
0x87: {  	_ =	shalt  }
.Lfunc_end0:
.L_simem_size_0:
called_computation_lowered:
.L_overlay_start_0:
0x88: {  	s2 =	sld [smem:$0x3FD9]  }
0x89: {  	s3 =	sld [smem:$0x3FFE];
	_ =	sdelay $0x1  }
0x8a: {  	s1 =	srdreg.scid  }
0x8b: {  	s0 =	sand.u32 $0x1, s1  }
0x8c: {  	s17 =	sshll.u32 s0, $0xA;
	s2 =	sadd.s32 s3, s2  }
0x8d: {  	s2 =	sadd.s32 s2, s17  }
0x8e: {  	[smem:$0x3FC0] =	sst s2  }
0x8f: {  	_ = 	snop  }
0x90: {  	s2 =	sld [smem:$0x3FD0];
	(tm) =	ssettm $0x1  }
0x91: {  	s18 =	sld [smem:$0x3FFB];
	_ =	sdelay $0x3  }
0x92: {  	_ =	strace s18  }
0x93: {  	s3 =	sld [smem:$0x3FFC];
	_ =	sdelay $0x3  }
0x94: {  	_ =	strace s3  }
0x95: {  	s3 =	sld [smem:$0x3FFD];
	_ =	sdelay $0x3  }
0x96: {  	_ =	strace s3  }
0x97: {  	_ =	strace $0x8FFFFFFF  }
0x98: {  	s19 =	sld [smem:$0x3FDB];
	_ =	sdelay $0x1  }
0x99: {  	s4 =	simm.s32 $_scs_section_size  }
0x9a: {  	s5 =	simm.s32 $_size__tile_overlayer_lowered;
	s6 =	simm.s32 $_tile_overlayer_lowered  }
0x9b: {  	s22 =	simm.s32 $0x1BFF;
	s21 =	sshll.u32 s6, $0x1;
	s3 =	sadd.s32 s4, s19  }
0x9c: {  	s7 =	simm.s32 $0x0;
	s20 =	sshll.u32 s5, $0x1;
	s5 =	sadd.s32 s21, s3  }
0x9d: {  	[timem:s7], [sflag:s22] =	dma.local [hbm:s5], s20  }
0x9e: {  	_ =	swait.ge [sflag:s22], s20  }
0x9f: {  	s4 =	ssub.s32 $0x0, s20;
	[sflag:s22] =	ssyncset.done $0x0  }
0xa0: {  	[sflag:s22] =	ssyncadd.s32 s4;
	_ =	sdelay $0x1  }
0xa1: {  	s23 =	simm.s32 $0x1B8B  }
0xa2: {  	_ =	swait.ge [sflag:s23], $0x1  }
0xa3: {  	[sflag:s23] =	ssyncset.done $0x0  }
0xa4: {  	s25 =	simm.s32 $0x1B8E;
	s24 =	sld [smem:$0x3FFE];
	[sflag:s23] =	ssyncadd.s32 $0xFFFFFFFF  }
0xa5: {  	s26 =	simm.s32 $execute0_lowered;
	[smem:$0x3FD2] =	sst s25  }
0xa6: {  	s5 =	sshll.u32 s26, $0x1;
	_ =	strace $0x80000046;
	[dreg:$0x1] =	wrdreg $0xFFFFFFFF  }
0xa7: {  	s28 =	simm.s32 $_size_execute0_lowered;
	s3 =	sadd.s32 s3, s5;
	[dreg:$0x0] =	wrdreg $0x0  }
0xa8: {  	s5 =	sshll.u32 s28, $0x1;
	[dreg:$0x2] =	wrdreg s3  }
0xa9: {  	[dreg:$0x3] =	wrdreg s5  }
0xaa: {  	[dreg:$0x4] =	wrdreg $0xC0  }
0xab: {  	_ =	task [dreg:s7], $0x5FFFF  }
0xac: {  	[dreg:$0x1] =	wrdreg $0xFFFFFFFF  }
0xad: {  	[dreg:$0x0] =	wrdreg $0x60  }
0xae: {  	[dreg:$0x2] =	wrdreg s24  }
0xaf: {  	[dreg:$0x3] =	wrdreg s2  }
0xb0: {  	[dreg:$0x4] =	wrdreg $0x68000  }
0xb1: {  	[dreg:$0x5] =	wrdreg $0x9  }
0xb2: {  	_ =	task.clear_ibuf [dreg:s7], $0x6FFFF;
	_ =	strace $0x90000046  }
0xb3: {  	s29 =	simm.s32 $0x9;
	_ =	strace $0x80000048  }
0xb4: {  	_ =	swait.ge [sflag:s29], $0x1  }
0xb5: {  	[sflag:s29] =	ssyncadd.s32 $0xFFFFFFFF  }
0xb6: {  	_ =	strace $0x90000048  }
0xb7: {  	_ =	sfence  }
0xb8: {  	s30 =	sld [smem:$0x0];
	_ =	sdelay $0x2  }
0xb9: {  	s31 =	sshll.u32 s1, $0xD;
	s1 =	sshrl.u32 s1, $0x2  }
0xba: {  	s3 =	sand.u32 $0x4000, s31;
	s1 =	sadd.s32 s1, s30  }
0xbb: {  	s0 =	sor.u32 s3, s0;
	s1 =	sshll.u32 s1, $0x11  }
0xbc: {  	s0 =	sor.u32 s1, s0  }
0xbd: {  	s0 =	sadd.s32 $0x8F2B, s0  }
0xbe: {  	[sflag:s0] =	ssyncadd.remote.s32 $0x1  }
0xbf: {  	_ =	sfence.sel $0xFFFF  }
0xc0: {  	[dreg:$0x0] =	wrdreg $0xFFFFFFFF;
	(pc) =	sbr.abs _section_cstart, $3  }
0xc1: {  	[dreg:$0x1] =	wrdreg $0xFFFFFFFF  }
0xc2: {  	_ =	task.clear_ibuf [dreg:s7], $0x2FFFF;
	_ =	strace $0x9FFFFFFF  }
0xc3: {  	(tm) =	ssettm $0x7FFFFFFF  }
tec
execute0_lowered:
.L_overlay_start_1:
0x0: {  	(tag) =	ssettag $0x1  }
0x1: {  	s6 =	rddreg [dreg:$0x0]  }
0x2: {  	s2 =	rddreg [dreg:$0x1]  }
0x3: {  	s0 =	srdreg.scid;
	s3 =	rddreg [dreg:$0x2];
	s4 =	simm.s32 $0x0  }
0x4: {  	s13 =	simm.s32 $0x80;
	s5 =	sand.u32 $0x1, s0;
	s0 =	stileid.u32  }
0x5: {  	s14 =	simm.s32 $0x1;
	s15 =	simm.s32 $0x2;
	s8 =	smul.u32 $0x2800, s0  }
0x6: {  	s16 =	simm.s32 $0x0;
	[smem:$0x7FF] =	sst s4;
	s9 =	smul.u32 $0x28000, s5  }
0x7: {  	s1 =	sshll.u32 s5, $0x4;
	s10 =	smul.u32 $0x50000, s0;
	s5 =	ssub.s32 $0x2, s5  }
0x8: {  	s31 =	sshll.u32 s0, $0x6;
	s1 =	sor.u32 s0, s1;
	s28 =	sshrl.u32 s5, $0x1  }
0x9: {  	s7 =	smul.u32 $0x500, s1;
	s1 =	rddreg [dreg:$0x3];
	_ =	strace $0x80000047  }
0xa: {  	s11 =	sadd.s32 s8, s6;
	s8 =	sadd.s32 s8, s9;
	s29 =	sshrl.u32 s10, $0x2  }
0xb: {  	s30 =	ssub.s32 s5, s28;
	s9 =	simm.s32 $0x3;
	s10 =	simm.s32 $0x2800  }
0xc: {  	s8 =	sadd.s32 s8, s6;
	s12 =	sadd.s32 s29, s3;
	s7 =	sadd.s32 s7, s6  }
0xd: {  	s6 =	sadd.s32 $0xCA00, s11;
	s11 =	sor.u32 $0x1C03, s31;
	s12 =	sshrl.u32 s12, $0x3  }
0xe: {  	s5 =	sadd.s32 $0x2A00, s7;
	s7 =	sadd.s32 $0x34A00, s8;
	s8 =	smax.u32 s30, $0x1  }
.LBB2_1:
0xf: {  	[tilespmem:s4], [sflag:$0x3] =	stream.linear.gather [hbm4b:s5+s4], $0x2800, $0x38;
	[tilespmem:$0x9000] =	vst v63  }
0x10: {  	_ =	swait.ge [sflag:s9], $0x2800  }
0x11: {  	[sflag:s9] =	ssyncset.done $0x0  }
0x12: {  	[sflag:s9] =	ssyncadd.s32 $0xFFFFD800  }
0x13: {  	[tilespmem:s10], [sflag:$0x3] =	stream.linear.gather [hbm4b:s2+s4], $0x4000, $0x38;
	[tilespmem:$0x9000] =	vst v63  }
0x14: {  	_ =	swait.ge [sflag:s9], $0x4000  }
0x15: {  	[sflag:s9] =	ssyncset.done $0x0  }
0x16: {  	[sflag:s9] =	ssyncadd.s32 $0xFFFFC000  }
0x17: {  	[spmem:s12], [sflag:s11] =	dma.local [hbm:s6], $0x2800  }
0x18: {  	_ =	swait.ge [sflag:s9], $0x2800  }
0x19: {  	[sflag:s9] =	ssyncset.done $0x0  }
0x1a: {  	[sflag:s9] =	ssyncadd.s32 $0xFFFFD800  }
0x1b: {  	[bflag:$0x0] =	sbarrier.arrive $0xFFFF  }
0x1c: {  	[spmem:s3] =	stream.indirect.scatter.add.f32 [tilespmem:s10], [sflag:$0x1], $0x10, s4, s13, $0xb8;
	[tilespmem:$0x9000] =	vst v63  }
0x1d: {  	_ = 	snop  }
0x1e: {  	[spmem:s3] =	stream.indirect.scatter.add.f32 [tilespmem:s10], [sflag:$0x2], $0x10, s13, s13, $0xb8;
	[tilespmem:$0x9000] =	vst v63  }
0x1f: {  	_ =	swait.ge [sflag:s14], $0x800  }
0x20: {  	[sflag:s14] =	ssyncset.done $0x0  }
0x21: {  	s17 =	simm.s32 $0x100;
	[sflag:s14] =	ssyncadd.s32 $0xFFFFF800  }
0x22: {  	[spmem:s3] =	stream.indirect.scatter.add.f32 [tilespmem:s10], [sflag:$0x1], $0x10, s17, s13, $0xb8;
	[tilespmem:$0x9000] =	vst v63  }
0x23: {  	_ =	swait.ge [sflag:s15], $0x800  }
0x24: {  	[sflag:s15] =	ssyncset.done $0x0  }
0x25: {  	s18 =	simm.s32 $0x180;
	s17 =	simm.s32 $0xFFFF6800;
	[sflag:s15] =	ssyncadd.s32 $0xFFFFF800  }
.LBB2_2:
0x26: {  	[spmem:s3] =	stream.indirect.scatter.add.f32 [tilespmem:s10], [sflag:$0x2], $0x10, s18, s13, $0xb8;
	[tilespmem:$0x9000] =	vst v63  }
0x27: {  	s18 =	smov.u32 s17  }
0x28: {  	p0 =	sne.s32 s17, $0xFFFFFC00;
	s17 =	sadd.s32 $0x400, s17;
	_ =	swait.ge [sflag:s14], $0x800  }
0x29: {  	s18 =	sshra.s32 s18, $0x2;
	[sflag:s14] =	ssyncset.done $0x0  }
.Ltmp0:
0x2a: {  	s19 =	sadd.s32 $0x2800, s18;
	[sflag:s14] =	ssyncadd.s32 $0xFFFFF800;
	(pc) =	sbr.rel @p0 .LBB2_2-.Ltmp0, $4  }
0x2b: {  	[spmem:s3] =	stream.indirect.scatter.add.f32 [tilespmem:s10], [sflag:$0x1], $0x10, s19, s13, $0xb8;
	[tilespmem:$0x9000] =	vst v63  }
0x2c: {  	_ =	swait.ge [sflag:s15], $0x800  }
0x2d: {  	[sflag:s15] =	ssyncset.done $0x0  }
0x2e: {  	s18 =	sadd.s32 $0x2880, s18;
	[sflag:s15] =	ssyncadd.s32 $0xFFFFF800  }
0x2f: {  	[spmem:s3] =	stream.indirect.scatter.add.f32 [tilespmem:s10], [sflag:$0x2], $0x10, s18, s13, $0xb8;
	[tilespmem:$0x9000] =	vst v63  }
0x30: {  	_ =	swait.ge [sflag:s14], $0x800  }
0x31: {  	[sflag:s14] =	ssyncset.done $0x0  }
0x32: {  	[sflag:s14] =	ssyncadd.s32 $0xFFFFF800  }
0x33: {  	_ =	swait.ge [sflag:s15], $0x800  }
0x34: {  	s16 =	sadd.s32 $0x1, s16;
	[sflag:s15] =	ssyncset.done $0x0  }
0x35: {  	p0 =	sne.s32 s16, s8;
	[sflag:s15] =	ssyncadd.s32 $0xFFFFF800  }
.Ltmp1:
0x36: {  	[bflag:$0x0] =	sbarrier.arrive $0xFFFF;
	(pc) =	sbr.rel @p0 .LBB2_1-.Ltmp1, $4  }
0x37: {  	[hbm:s7], [sflag:s11] =	dma.local [spmem:s12], $0x2800  }
0x38: {  	_ =	swait.ge [sflag:s9], $0x2800  }
0x39: {  	[sflag:s9] =	ssyncset.done $0x0  }
0x3a: {  	[sflag:s9] =	ssyncadd.s32 $0xFFFFD800  }
0x3b: {  	_ =	sfence.sel $0x180000  }
0x3c: {  	[bflag:$0x0] =	sbarrier.arrive $0xFFFF  }
0x3d: {  	p0 =	sne.s32 s0, $0x0;
	_ =	strace $0x90000047  }
0x3e: {  	s0 =	sadd.s32 @!p0 $0x100000, s1;
	[bflag:$0x2] =	sbarrier.arrive $0xFFFF  }
0x3f: {  	[sflag:s0] =	ssyncadd.tile.s32 @!p0 $0x1;
	_ =	shalt  }
.Lfunc_end2:
_tile_overlayer_lowered:
.L_overlay_start_2:
0x40: {  	(tag) =	ssettag $0x2  }
0x41: {  	s0 =	rddreg [dreg:$0x0];
	s2 =	stileid.u32  }
0x42: {  	s1 =	rddreg [dreg:$0x1];
	p0 =	sne.s32 s2, $0x0  }
0x43: {  	s3 =	rddreg [dreg:$0x2];
	[bflag:$0x3] =	sbarrier.arrive $0xFFFF;
	s2 =	simm.s32 @!p0 $0x1C03  }
0x44: {  	[timem:s3], [sflag:s2] =	dma.local @!p0 [hbm:s0], s1  }
0x45: {  	s0 =	simm.s32 @!p0 $0x3  }
0x46: {  	_ =	swait.ge @!p0 [sflag:s0], s1  }
0x47: {  	s1 =	ssub.s32 @!p0 $0x0, s1;
	[sflag:s0] =	ssyncset.done @!p0 $0x0  }
0x48: {  	[sflag:s0] =	ssyncadd.s32 @!p0 s1  }
0x49: {  	[bflag:$0x3] =	sbarrier.arrive $0xFFFF  }
0x4a: {  	_ =	shalt  }

// kernel: kernel.13.cloned.1.call-start
scs
__scs_entry_jumppad:
0x0: {  	(pc) =	sbr.rel $0x88, $3  }
0x1: {  	(tag) =	ssettag $0x0;
	lr =	simm.s32 $0x1  }
0x2: {  	[smem:$0x3F99] =	sst lr;
	_ =	strace $0xD0000000  }
0x3: {  	_ = 	snop  }
0x4: {  	_ = 	snop  }
0x5: {  	_ = 	snop  }
0x6: {  	_ = 	snop  }
0x7: {  	_ = 	snop  }
__scs_overlays_trampoline_lowered:
0x8: {  	[smem:$0x3FA8] =	sst s0  }
0x9: {  	[smem:$0x3FA9] =	sst s1  }
0xa: {  	[smem:$0x3FAA] =	sst s2  }
0xb: {  	[smem:$0x3FAB] =	sst s3  }
0xc: {  	[smem:$0x3FAC] =	sst s4  }
0xd: {  	[smem:$0x3FAD] =	sst s5  }
0xe: {  	[smem:$0x3FAE] =	sst s6  }
0xf: {  	[smem:$0x3FAF] =	sst s7  }
0x10: {  	[smem:$0x3FB0] =	sst s8  }
0x11: {  	[smem:$0x3FB1] =	sst s9;
	s0 =	simm.s32 @!p0 $0x0  }
0x12: {  	s1 =	sld [smem:$0x3F97];
	s0 =	simm.s32 @p0 $0x1  }
0x13: {  	[smem:$0x3FB2] =	sst s0;
	s0 =	simm.s32 @!p1 $0x0  }
0x14: {  	s2 =	sld [smem:$0x3F96];
	s0 =	simm.s32 @p1 $0x1  }
0x15: {  	[smem:$0x3FB3] =	sst s0;
	s0 =	simm.s32 @!p2 $0x0  }
0x16: {  	s3 =	sld [smem:$0x3FDB];
	s0 =	simm.s32 @p2 $0x1  }
0x17: {  	s4 =	simm.s32 $0x1BF5;
	[smem:$0x3FB5] =	sst s0  }
0x18: {  	s0 =	sld [smem:$0x3F98];
	_ =	swait.ge [sflag:s4], $0x0  }
0x19: {  	s7 =	sld [smem:$0x3F99]  }
0x1a: {  	s8 =	sadd.s32 $0xFFFFE003, lr  }
0x1b: {  	s9 =	sadd.s32 $0xFFFFFEF7, lr;
	s5 =	simm.s32 $0xFFFFFFFF;
	p2 =	slt.u32 s8, $0xFFFFF086  }
0x1c: {  	p1 =	slt.u32 s9, $0xF7A;
	s5 =	simm.s32 @!p2 $0x0  }
0x1d: {  	s5 =	simm.s32 @p1 $0x1;
	p0 =	seq.s32 s7, s2  }
0x1e: {  	s7 =	smul.u32 @!p0 $0xF7A, s2;
	p2 =	seq.s32 @!p0 s5, $0x0  }
0x1f: {  	s9 =	smul.u32 $0xF7A, s1;
	s8 =	simm.s32 @!p0 $0x1BF5;
	p2 =	por !p2, p0  }
0x20: {  	[sflag:s8] =	ssyncset.s32 @!p0 $0xFFFFF086;
	s6 =	sadd.s32 @!p0 s3, s7;
	s7 =	simm.s32 @!p0 $0x108  }
0x21: {  	s3 =	sadd.s32 s3, s9;
	s6 =	sadd.s32 @!p0 $0x88, s6;
	s7 =	simm.s32 @p2 $0x1082  }
0x22: {  	[simem:s7], [sflag:s8] =	dma.local @!p0 [hbm:s6], $0xF7A  }
0x23: {  	s9 =	sor.u32 $0xD0000000, s2;
	s6 =	simm.s32 $0x108;
	_ =	swait.ge @!p0 [sflag:s8], $0x0  }
0x24: {  	s3 =	sadd.s32 $0x88, s3;
	s6 =	simm.s32 @!p1 $0x1082;
	[sflag:s4] =	ssyncset.s32 $0xFFFFF086  }
0x25: {  	[simem:s6], [sflag:s4] =	dma.local [hbm:s3], $0xF7A  }
0x26: {  	[smem:$0x3F99] =	sst s1;
	(tag) =	ssettag s2;
	_ =	strace s9  }
0x27: {  	s1 =	sld [smem:$0x3FA9]  }
0x28: {  	s2 =	sld [smem:$0x3FAA]  }
0x29: {  	s4 =	sld [smem:$0x3FAC]  }
0x2a: {  	p0 =	seq.s32 s5, $0x0;
	s5 =	sld [smem:$0x3FAD]  }
0x2b: {  	s6 =	sld [smem:$0x3FAE]  }
0x2c: {  	s7 =	sld [smem:$0x3FAF]  }
0x2d: {  	s3 =	simm.s32 $0x108;
	s8 =	sld [smem:$0x3FB0]  }
0x2e: {  	s3 =	simm.s32 @!p0 $0x1082;
	s9 =	sld [smem:$0x3FB1]  }
0x2f: {  	lr =	sadd.s32 s0, s3;
	s0 =	sld [smem:$0x3FA8]  }
0x30: {  	s3 =	sld [smem:$0x3FAB]  }
0x31: {  	[smem:$0x3FB4] =	sst s10  }
0x32: {  	s10 =	sld [smem:$0x3FB2];
	_ =	sdelay $0x3  }
0x33: {  	p0 =	seq.s32 s10, $0x1;
	s10 =	sld [smem:$0x3FB4];
	_ =	sdelay $0x3  }
0x34: {  	[smem:$0x3FB4] =	sst s10  }
0x35: {  	s10 =	sld [smem:$0x3FB3];
	_ =	sdelay $0x3  }
0x36: {  	p1 =	seq.s32 s10, $0x1;
	s10 =	sld [smem:$0x3FB4];
	_ =	sdelay $0x3  }
0x37: {  	[smem:$0x3FB4] =	sst s10  }
0x38: {  	s10 =	sld [smem:$0x3FB5]  }
0x39: {  	_ = 	snop;
	(pc) =	sbr.ind lr, $3  }
0x3a: {  	_ = 	snop  }
0x3b: {  	_ = 	snop  }
0x3c: {  	p2 =	seq.s32 s10, $0x1;
	s10 =	sld [smem:$0x3FB4]  }
0x3d: {  	_ =	shalt  }
0x3e: {  	_ =	shalt  }
0x3f: {  	_ =	shalt  }
0x40: {  	_ =	shalt  }
0x41: {  	_ =	shalt  }
0x42: {  	_ =	shalt  }
0x43: {  	_ =	shalt  }
0x44: {  	_ =	shalt  }
0x45: {  	_ =	shalt  }
0x46: {  	_ =	shalt  }
0x47: {  	_ =	shalt  }
0x48: {  	_ =	shalt  }
0x49: {  	_ =	shalt  }
0x4a: {  	_ =	shalt  }
0x4b: {  	_ =	shalt  }
0x4c: {  	_ =	shalt  }
0x4d: {  	_ =	shalt  }
0x4e: {  	_ =	shalt  }
0x4f: {  	_ =	shalt  }
0x50: {  	_ =	shalt  }
0x51: {  	_ =	shalt  }
0x52: {  	_ =	shalt  }
0x53: {  	_ =	shalt  }
0x54: {  	_ =	shalt  }
0x55: {  	_ =	shalt  }
0x56: {  	_ =	shalt  }
0x57: {  	_ =	shalt  }
0x58: {  	_ =	shalt  }
0x59: {  	_ =	shalt  }
0x5a: {  	_ =	shalt  }
0x5b: {  	_ =	shalt  }
0x5c: {  	_ =	shalt  }
0x5d: {  	_ =	shalt  }
0x5e: {  	_ =	shalt  }
0x5f: {  	_ =	shalt  }
0x60: {  	_ =	shalt  }
0x61: {  	_ =	shalt  }
0x62: {  	_ =	shalt  }
0x63: {  	_ =	shalt  }
0x64: {  	_ =	shalt  }
0x65: {  	_ =	shalt  }
0x66: {  	_ =	shalt  }
0x67: {  	_ =	shalt  }
0x68: {  	_ =	shalt  }
0x69: {  	_ =	shalt  }
0x6a: {  	_ =	shalt  }
0x6b: {  	_ =	shalt  }
0x6c: {  	_ =	shalt  }
0x6d: {  	_ =	shalt  }
0x6e: {  	_ =	shalt  }
0x6f: {  	_ =	shalt  }
0x70: {  	_ =	shalt  }
0x71: {  	_ =	shalt  }
0x72: {  	_ =	shalt  }
0x73: {  	_ =	shalt  }
0x74: {  	_ =	shalt  }
0x75: {  	_ =	shalt  }
0x76: {  	_ =	shalt  }
0x77: {  	_ =	shalt  }
0x78: {  	_ =	shalt  }
0x79: {  	_ =	shalt  }
0x7a: {  	_ =	shalt  }
0x7b: {  	_ =	shalt  }
0x7c: {  	_ =	shalt  }
0x7d: {  	_ =	shalt  }
0x7e: {  	_ =	shalt  }
0x7f: {  	_ =	shalt  }
0x80: {  	_ =	shalt  }
0x81: {  	_ =	shalt  }
0x82: {  	_ =	shalt  }
0x83: {  	_ =	shalt  }
0x84: {  	_ =	shalt  }
0x85: {  	_ =	shalt  }
0x86: {  	_ =	shalt  }
0x87: {  	_ =	shalt  }
.Lfunc_end0:
.L_simem_size_0:
called_computation.1_lowered:
.L_overlay_start_0:
0x88: {  	s2 =	sld [smem:$0x3FD9]  }
0x89: {  	s3 =	sld [smem:$0x3FFE];
	_ =	sdelay $0x1  }
0x8a: {  	s1 =	srdreg.scid  }
0x8b: {  	s0 =	sand.u32 $0x1, s1  }
0x8c: {  	s17 =	sshll.u32 s0, $0xA;
	s2 =	sadd.s32 s3, s2  }
0x8d: {  	s2 =	sadd.s32 s2, s17  }
0x8e: {  	[smem:$0x3FC0] =	sst s2  }
0x8f: {  	_ = 	snop  }
0x90: {  	s2 =	sld [smem:$0x3FD0];
	(tm) =	ssettm $0x1  }
0x91: {  	s18 =	sld [smem:$0x3FFB];
	_ =	sdelay $0x3  }
0x92: {  	_ =	strace s18  }
0x93: {  	s3 =	sld [smem:$0x3FFC];
	_ =	sdelay $0x3  }
0x94: {  	_ =	strace s3  }
0x95: {  	s3 =	sld [smem:$0x3FFD];
	_ =	sdelay $0x3  }
0x96: {  	_ =	strace s3  }
0x97: {  	_ =	strace $0x8FFFFFFF  }
0x98: {  	s19 =	sld [smem:$0x3FDB];
	_ =	sdelay $0x1  }
0x99: {  	s4 =	simm.s32 $_scs_section_size  }
0x9a: {  	s5 =	simm.s32 $_size__tile_overlayer_lowered;
	s6 =	simm.s32 $_tile_overlayer_lowered  }
0x9b: {  	s22 =	simm.s32 $0x1BFF;
	s21 =	sshll.u32 s6, $0x1;
	s3 =	sadd.s32 s4, s19  }
0x9c: {  	s7 =	simm.s32 $0x0;
	s20 =	sshll.u32 s5, $0x1;
	s5 =	sadd.s32 s21, s3  }
0x9d: {  	[timem:s7], [sflag:s22] =	dma.local [hbm:s5], s20  }
0x9e: {  	_ =	swait.ge [sflag:s22], s20  }
0x9f: {  	s4 =	ssub.s32 $0x0, s20;
	[sflag:s22] =	ssyncset.done $0x0  }
0xa0: {  	[sflag:s22] =	ssyncadd.s32 s4;
	_ =	sdelay $0x1  }
0xa1: {  	s23 =	simm.s32 $0x1B8B  }
0xa2: {  	_ =	swait.ge [sflag:s23], $0x1  }
0xa3: {  	[sflag:s23] =	ssyncset.done $0x0  }
0xa4: {  	s25 =	simm.s32 $0x1B8E;
	s24 =	sld [smem:$0x3FFE];
	[sflag:s23] =	ssyncadd.s32 $0xFFFFFFFF  }
0xa5: {  	s26 =	simm.s32 $execute0_lowered;
	[smem:$0x3FD2] =	sst s25  }
0xa6: {  	s5 =	sshll.u32 s26, $0x1;
	_ =	strace $0x80000049;
	[dreg:$0x1] =	wrdreg $0xFFFFFFFF  }
0xa7: {  	s28 =	simm.s32 $_size_execute0_lowered;
	s3 =	sadd.s32 s3, s5;
	[dreg:$0x0] =	wrdreg $0x0  }
0xa8: {  	s5 =	sshll.u32 s28, $0x1;
	[dreg:$0x2] =	wrdreg s3  }
0xa9: {  	[dreg:$0x3] =	wrdreg s5  }
0xaa: {  	[dreg:$0x4] =	wrdreg $0xC0  }
0xab: {  	_ =	task [dreg:s7], $0x5FFFF  }
0xac: {  	[dreg:$0x1] =	wrdreg $0xFFFFFFFF  }
0xad: {  	[dreg:$0x0] =	wrdreg $0x60  }
0xae: {  	[dreg:$0x2] =	wrdreg s2  }
0xaf: {  	[dreg:$0x3] =	wrdreg s24  }
0xb0: {  	[dreg:$0x4] =	wrdreg $0x82000  }
0xb1: {  	[dreg:$0x5] =	wrdreg $0x9  }
0xb2: {  	_ =	task.clear_ibuf [dreg:s7], $0x6FFFF;
	_ =	strace $0x90000049  }
0xb3: {  	s29 =	simm.s32 $0x9;
	_ =	strace $0x8000004B  }
0xb4: {  	_ =	swait.ge [sflag:s29], $0x1  }
0xb5: {  	[sflag:s29] =	ssyncadd.s32 $0xFFFFFFFF  }
0xb6: {  	_ =	strace $0x9000004B  }
0xb7: {  	_ =	sfence  }
0xb8: {  	s30 =	sld [smem:$0x0];
	_ =	sdelay $0x2  }
0xb9: {  	s31 =	sshll.u32 s1, $0xD;
	s1 =	sshrl.u32 s1, $0x2  }
0xba: {  	s3 =	sand.u32 $0x4000, s31;
	s1 =	sadd.s32 s1, s30  }
0xbb: {  	s0 =	sor.u32 s3, s0;
	s1 =	sshll.u32 s1, $0x11  }
0xbc: {  	s0 =	sor.u32 s1, s0  }
0xbd: {  	s0 =	sadd.s32 $0x8F2B, s0  }
0xbe: {  	[sflag:s0] =	ssyncadd.remote.s32 $0x1  }
0xbf: {  	_ =	sfence.sel $0xFFFF  }
0xc0: {  	[dreg:$0x0] =	wrdreg $0xFFFFFFFF;
	(pc) =	sbr.abs _section_cstart, $3  }
0xc1: {  	[dreg:$0x1] =	wrdreg $0xFFFFFFFF  }
0xc2: {  	_ =	task.clear_ibuf [dreg:s7], $0x2FFFF;
	_ =	strace $0x9FFFFFFF  }
0xc3: {  	(tm) =	ssettm $0x7FFFFFFF  }
tec
execute0_lowered:
.L_overlay_start_1:
0x0: {  	(tag) =	ssettag $0x1  }
0x1: {  	s1 =	rddreg [dreg:$0x0]  }
0x2: {  	s5 =	rddreg [dreg:$0x1]  }
0x3: {  	s3 =	rddreg [dreg:$0x2];
	s4 =	simm.s32 $0x0;
	s2 =	stileid.u32  }
0x4: {  	s6 =	srdreg.scid;
	s19 =	simm.s32 $0x100;
	s20 =	simm.s32 $0x80  }
0x5: {  	s28 =	simm.s32 $0x4;
	s29 =	simm.s32 $0x0;
	[smem:$0x7FF] =	sst s4  }
0x6: {  	s7 =	smul.u32 $0x2800, s2;
	s6 =	sand.u32 $0x1, s6;
	s16 =	sadd.s32 $0x84A00, s5  }
0x7: {  	s15 =	sadd.s32 $0x2A00, s5;
	s22 =	smul.u32 $0x50000, s2;
	s30 =	sshll.u32 s2, $0x6  }
0x8: {  	_ =	strace $0x8000004A;
	s8 =	smul.u32 $0x28000, s6;
	s21 =	sshll.u32 s6, $0x4  }
0x9: {  	s23 =	ssub.s32 $0x2, s6;
	s6 =	sor.u32 $0x1C05, s30;
	s9 =	sadd.s32 s7, s5  }
0xa: {  	s24 =	sor.u32 s2, s21;
	s25 =	sshrl.u32 s23, $0x1;
	s26 =	sshrl.u32 s22, $0x2  }
0xb: {  	s21 =	simm.s32 $0x200;
	s22 =	simm.s32 $0x180;
	s12 =	sadd.s32 s7, s8  }
0xc: {  	s10 =	smul.u32 $0x2800, s24;
	s13 =	ssub.s32 s23, s25;
	s17 =	sadd.s32 s26, s3  }
0xd: {  	s23 =	simm.s32 $0x4200;
	s24 =	simm.s32 $0x1;
	s25 =	simm.s32 $0x2  }
0xe: {  	s26 =	simm.s32 $0x3;
	s11 =	sadd.s32 s12, s5;
	s5 =	sadd.s32 $0xCA00, s9  }
0xf: {  	s14 =	sor.u32 $0x180, s12;
	s18 =	sor.u32 $0x100, s12;
	s12 =	smax.u32 s13, $0x1  }
0x10: {  	s17 =	sshrl.u32 s17, $0x3;
	s31 =	sshrl.u32 s10, $0x3;
	s11 =	sadd.s32 $0x34A00, s11  }
0x11: {  	s14 =	sshrl.u32 s14, $0x3;
	s18 =	sshrl.u32 s18, $0x3;
	s7 =	sadd.s32 s16, s31  }
0x12: {  	s8 =	sadd.s32 s15, s31;
	s10 =	sor.u32 $0x10, s31;
	s13 =	sadd.s32 s14, s15  }
0x13: {  	s14 =	sadd.s32 s14, s16;
	s9 =	sadd.s32 s16, s10;
	s10 =	sadd.s32 s15, s10  }
0x14: {  	s15 =	sadd.s32 s18, s15;
	s16 =	sadd.s32 s18, s16;
	s18 =	simm.s32 $0x5  }
.LBB2_1:
0x15: {  	[spmem:s17], [sflag:s6] =	dma.local [hbm:s5], $0x2800  }
0x16: {  	_ =	swait.ge [sflag:s18], $0x2800  }
0x17: {  	[sflag:s18] =	ssyncset.done $0x0  }
0x18: {  	[sflag:s18] =	ssyncadd.s32 $0xFFFFD800  }
0x19: {  	[tilespmem:s4], [sflag:$0x5] =	stream.linear.gather [hbm4b:s7+s4], $0x80, $0x38;
	[tilespmem:$0x1C200] =	vst v63  }
0x1a: {  	_ =	swait.ge [sflag:s18], $0x80  }
0x1b: {  	[sflag:s18] =	ssyncset.done $0x0  }
0x1c: {  	[sflag:s18] =	ssyncadd.s32 $0xFFFFFF80  }
0x1d: {  	[tilespmem:s19], [sflag:$0x5] =	stream.linear.gather [hbm4b:s8+s4], $0x80, $0x38;
	[tilespmem:$0x1C200] =	vst v63  }
0x1e: {  	_ =	swait.ge [sflag:s18], $0x80  }
0x1f: {  	[sflag:s18] =	ssyncset.done $0x0  }
0x20: {  	[sflag:s18] =	ssyncadd.s32 $0xFFFFFF80  }
0x21: {  	[tilespmem:s21], [sflag:$0x1] =	stream.indirect.gather [hbm4b:s1+s20], $0x80, s4, s20, $0xb8;
	[tilespmem:$0x1C200] =	vst v63  }
0x22: {  	_ = 	snop  }
0x23: {  	[tilespmem:s20], [sflag:$0x5] =	stream.linear.gather [hbm4b:s9+s4], $0x80, $0x38;
	[tilespmem:$0x1C200] =	vst v63  }
0x24: {  	_ =	swait.ge [sflag:s18], $0x80  }
0x25: {  	[sflag:s18] =	ssyncset.done $0x0  }
0x26: {  	[sflag:s18] =	ssyncadd.s32 $0xFFFFFF80  }
0x27: {  	[tilespmem:s22], [sflag:$0x5] =	stream.linear.gather [hbm4b:s10+s4], $0x80, $0x38;
	[tilespmem:$0x1C200] =	vst v63  }
0x28: {  	_ =	swait.ge [sflag:s18], $0x80  }
0x29: {  	[sflag:s18] =	ssyncset.done $0x0  }
0x2a: {  	[sflag:s18] =	ssyncadd.s32 $0xFFFFFF80  }
0x2b: {  	[tilespmem:s23], [sflag:$0x2] =	stream.indirect.gather [hbm4b:s1+s20], $0x80, s20, s20, $0xb8;
	[tilespmem:$0x1C200] =	vst v63  }
0x2c: {  	[bflag:$0x0] =	sbarrier.arrive $0xFFFF  }
0x2d: {  	_ =	swait.ge [sflag:s24], $0x4000  }
0x2e: {  	[sflag:s24] =	ssyncset.done $0x0  }
0x2f: {  	[sflag:s24] =	ssyncadd.s32 $0xFFFFC000  }
0x30: {  	[spmem:s3] =	stream.indirect.scatter.add.f32 [tilespmem:s21], [sflag:$0x3], $0x80, s19, s20, $0xb8;
	[tilespmem:$0x1C200] =	vst v63  }
0x31: {  	_ =	swait.ge [sflag:s25], $0x4000  }
0x32: {  	[sflag:s25] =	ssyncset.done $0x0  }
0x33: {  	[sflag:s25] =	ssyncadd.s32 $0xFFFFC000  }
0x34: {  	[spmem:s3] =	stream.indirect.scatter.add.f32 [tilespmem:s23], [sflag:$0x4], $0x80, s22, s20, $0xb8;
	[tilespmem:$0x1C200] =	vst v63  }
0x35: {  	s30 =	sadd.s32 $0x0, s16  }
0x36: {  	[tilespmem:s4], [sflag:$0x5] =	stream.linear.gather [hbm4b:s30+s4], $0x80, $0x38;
	[tilespmem:$0x1C200] =	vst v63  }
0x37: {  	_ =	swait.ge [sflag:s18], $0x80  }
0x38: {  	[sflag:s18] =	ssyncset.done $0x0  }
0x39: {  	[sflag:s18] =	ssyncadd.s32 $0xFFFFFF80  }
0x3a: {  	_ =	swait.ge [sflag:s26], $0x4000  }
0x3b: {  	[sflag:s26] =	ssyncset.done $0x0  }
0x3c: {  	s30 =	sadd.s32 $0x0, s15;
	[sflag:s26] =	ssyncadd.s32 $0xFFFFC000  }
0x3d: {  	[tilespmem:s19], [sflag:$0x5] =	stream.linear.gather [hbm4b:s30+s4], $0x80, $0x38;
	[tilespmem:$0x1C200] =	vst v63  }
0x3e: {  	_ =	swait.ge [sflag:s18], $0x80  }
0x3f: {  	[sflag:s18] =	ssyncset.done $0x0  }
0x40: {  	[sflag:s18] =	ssyncadd.s32 $0xFFFFFF80  }
0x41: {  	[tilespmem:s21], [sflag:$0x1] =	stream.indirect.gather [hbm4b:s1+s20], $0x80, s4, s20, $0xb8;
	[tilespmem:$0x1C200] =	vst v63  }
0x42: {  	s30 =	sadd.s32 $0x0, s14  }
0x43: {  	[tilespmem:s20], [sflag:$0x5] =	stream.linear.gather [hbm4b:s30+s4], $0x80, $0x38;
	[tilespmem:$0x1C200] =	vst v63  }
0x44: {  	_ =	swait.ge [sflag:s18], $0x80  }
0x45: {  	[sflag:s18] =	ssyncset.done $0x0  }
0x46: {  	[sflag:s18] =	ssyncadd.s32 $0xFFFFFF80  }
0x47: {  	_ =	swait.ge [sflag:s28], $0x4000  }
0x48: {  	[sflag:s28] =	ssyncset.done $0x0  }
0x49: {  	s30 =	sadd.s32 $0x0, s13;
	[sflag:s28] =	ssyncadd.s32 $0xFFFFC000  }
0x4a: {  	[tilespmem:s22], [sflag:$0x5] =	stream.linear.gather [hbm4b:s30+s4], $0x80, $0x38;
	[tilespmem:$0x1C200] =	vst v63  }
0x4b: {  	_ =	swait.ge [sflag:s18], $0x80  }
0x4c: {  	[sflag:s18] =	ssyncset.done $0x0  }
0x4d: {  	s30 =	simm.s32 $0x20;
	[sflag:s18] =	ssyncadd.s32 $0xFFFFFF80  }
.LBB2_2:
0x4e: {  	[tilespmem:s23], [sflag:$0x2] =	stream.indirect.gather [hbm4b:s1+s20], $0x80, s20, s20, $0xb8;
	[tilespmem:$0x1C200] =	vst v63  }
0x4f: {  	s31 =	smov.u32 s30  }
0x50: {  	p0 =	sne.s32 s30, $0x4C0;
	s30 =	sadd.s32 $0x20, s30;
	_ =	swait.ge [sflag:s24], $0x4000  }
0x51: {  	[sflag:s24] =	ssyncset.done $0x0  }
0x52: {  	[sflag:s24] =	ssyncadd.s32 $0xFFFFC000  }
0x53: {  	[spmem:s3] =	stream.indirect.scatter.add.f32 [tilespmem:s21], [sflag:$0x3], $0x80, s19, s20, $0xb8;
	[tilespmem:$0x1C200] =	vst v63  }
0x54: {  	_ =	swait.ge [sflag:s25], $0x4000  }
0x55: {  	[sflag:s25] =	ssyncset.done $0x0  }
0x56: {  	[sflag:s25] =	ssyncadd.s32 $0xFFFFC000  }
0x57: {  	[spmem:s3] =	stream.indirect.scatter.add.f32 [tilespmem:s23], [sflag:$0x4], $0x80, s22, s20, $0xb8;
	[tilespmem:$0x1C200] =	vst v63  }
0x58: {  	s0 =	sadd.s32 s31, s16  }
0x59: {  	[tilespmem:s4], [sflag:$0x5] =	stream.linear.gather [hbm4b:s0+s4], $0x80, $0x38;
	[tilespmem:$0x1C200] =	vst v63  }
0x5a: {  	_ =	swait.ge [sflag:s18], $0x80  }
0x5b: {  	[sflag:s18] =	ssyncset.done $0x0  }
0x5c: {  	[sflag:s18] =	ssyncadd.s32 $0xFFFFFF80  }
0x5d: {  	_ =	swait.ge [sflag:s26], $0x4000  }
0x5e: {  	[sflag:s26] =	ssyncset.done $0x0  }
0x5f: {  	s0 =	sadd.s32 s31, s15;
	[sflag:s26] =	ssyncadd.s32 $0xFFFFC000  }
0x60: {  	[tilespmem:s19], [sflag:$0x5] =	stream.linear.gather [hbm4b:s0+s4], $0x80, $0x38;
	[tilespmem:$0x1C200] =	vst v63  }
0x61: {  	_ =	swait.ge [sflag:s18], $0x80  }
0x62: {  	[sflag:s18] =	ssyncset.done $0x0  }
0x63: {  	[sflag:s18] =	ssyncadd.s32 $0xFFFFFF80  }
0x64: {  	[tilespmem:s21], [sflag:$0x1] =	stream.indirect.gather [hbm4b:s1+s20], $0x80, s4, s20, $0xb8;
	[tilespmem:$0x1C200] =	vst v63  }
0x65: {  	s0 =	sadd.s32 s31, s14  }
0x66: {  	[tilespmem:s20], [sflag:$0x5] =	stream.linear.gather [hbm4b:s0+s4], $0x80, $0x38;
	[tilespmem:$0x1C200] =	vst v63  }
0x67: {  	_ =	swait.ge [sflag:s18], $0x80  }
0x68: {  	[sflag:s18] =	ssyncset.done $0x0  }
0x69: {  	[sflag:s18] =	ssyncadd.s32 $0xFFFFFF80  }
0x6a: {  	_ =	swait.ge [sflag:s28], $0x4000  }
0x6b: {  	[sflag:s28] =	ssyncset.done $0x0  }
.Ltmp0:
0x6c: {  	s0 =	sadd.s32 s31, s13;
	[sflag:s28] =	ssyncadd.s32 $0xFFFFC000;
	(pc) =	sbr.rel @p0 .LBB2_2-.Ltmp0, $4  }
0x6d: {  	[tilespmem:s22], [sflag:$0x5] =	stream.linear.gather [hbm4b:s0+s4], $0x80, $0x38;
	[tilespmem:$0x1C200] =	vst v63  }
0x6e: {  	_ =	swait.ge [sflag:s18], $0x80  }
0x6f: {  	[sflag:s18] =	ssyncset.done $0x0  }
0x70: {  	[sflag:s18] =	ssyncadd.s32 $0xFFFFFF80  }
0x71: {  	[tilespmem:s23], [sflag:$0x2] =	stream.indirect.gather [hbm4b:s1+s20], $0x80, s20, s20, $0xb8;
	[tilespmem:$0x1C200] =	vst v63  }
0x72: {  	_ =	swait.ge [sflag:s24], $0x4000  }
0x73: {  	[sflag:s24] =	ssyncset.done $0x0  }
0x74: {  	[sflag:s24] =	ssyncadd.s32 $0xFFFFC000  }
0x75: {  	[spmem:s3] =	stream.indirect.scatter.add.f32 [tilespmem:s21], [sflag:$0x3], $0x80, s19, s20, $0xb8;
	[tilespmem:$0x1C200] =	vst v63  }
0x76: {  	_ =	swait.ge [sflag:s25], $0x4000  }
0x77: {  	[sflag:s25] =	ssyncset.done $0x0  }
0x78: {  	[sflag:s25] =	ssyncadd.s32 $0xFFFFC000  }
0x79: {  	[spmem:s3] =	stream.indirect.scatter.add.f32 [tilespmem:s23], [sflag:$0x4], $0x80, s22, s20, $0xb8;
	[tilespmem:$0x1C200] =	vst v63  }
0x7a: {  	_ =	swait.ge [sflag:s26], $0x4000  }
0x7b: {  	[sflag:s26] =	ssyncset.done $0x0  }
0x7c: {  	[sflag:s26] =	ssyncadd.s32 $0xFFFFC000  }
0x7d: {  	_ =	swait.ge [sflag:s28], $0x4000  }
0x7e: {  	s29 =	sadd.s32 $0x1, s29;
	[sflag:s28] =	ssyncset.done $0x0  }
0x7f: {  	p0 =	sne.s32 s29, s12;
	[sflag:s28] =	ssyncadd.s32 $0xFFFFC000  }
.Ltmp1:
0x80: {  	[bflag:$0x0] =	sbarrier.arrive $0xFFFF;
	(pc) =	sbr.rel @p0 .LBB2_1-.Ltmp1, $4  }
0x81: {  	[hbm:s11], [sflag:s6] =	dma.local [spmem:s17], $0x2800  }
0x82: {  	_ =	swait.ge [sflag:s18], $0x2800  }
0x83: {  	[sflag:s18] =	ssyncset.done $0x0  }
0x84: {  	[sflag:s18] =	ssyncadd.s32 $0xFFFFD800  }
0x85: {  	_ =	sfence.sel $0x180000  }
0x86: {  	[bflag:$0x0] =	sbarrier.arrive $0xFFFF  }
0x87: {  	_ =	strace $0x9000004A  }
0x88: {  	[bflag:$0x2] =	sbarrier.arrive $0xFFFF  }
0x89: {  	p0 =	sne.s32 s2, $0x0;
	s0 =	rddreg [dreg:$0x3]  }
0x8a: {  	s0 =	sadd.s32 @!p0 $0x100000, s0  }
0x8b: {  	[sflag:s0] =	ssyncadd.tile.s32 @!p0 $0x1;
	_ =	shalt  }
.Lfunc_end2:
_tile_overlayer_lowered:
.L_overlay_start_2:
0x8c: {  	(tag) =	ssettag $0x2  }
0x8d: {  	s0 =	rddreg [dreg:$0x0];
	s2 =	stileid.u32  }
0x8e: {  	s1 =	rddreg [dreg:$0x1];
	p0 =	sne.s32 s2, $0x0  }
0x8f: {  	s3 =	rddreg [dreg:$0x2];
	[bflag:$0x3] =	sbarrier.arrive $0xFFFF;
	s2 =	simm.s32 @!p0 $0x1C05  }
0x90: {  	[timem:s3], [sflag:s2] =	dma.local @!p0 [hbm:s0], s1  }
0x91: {  	s0 =	simm.s32 @!p0 $0x5  }
0x92: {  	_ =	swait.ge @!p0 [sflag:s0], s1  }
0x93: {  	s1 =	ssub.s32 @!p0 $0x0, s1;
	[sflag:s0] =	ssyncset.done @!p0 $0x0  }
0x94: {  	[sflag:s0] =	ssyncadd.s32 @!p0 s1  }
0x95: {  	[bflag:$0x3] =	sbarrier.arrive $0xFFFF  }
0x96: {  	_ =	shalt  }

// kernel: kernel.16.cloned.1.call-start
scs
__scs_entry_jumppad:
0x0: {  	(pc) =	sbr.rel $0x88, $3  }
0x1: {  	(tag) =	ssettag $0x0;
	lr =	simm.s32 $0x1  }
0x2: {  	[smem:$0x3F99] =	sst lr;
	_ =	strace $0xD0000000  }
0x3: {  	_ = 	snop  }
0x4: {  	_ = 	snop  }
0x5: {  	_ = 	snop  }
0x6: {  	_ = 	snop  }
0x7: {  	_ = 	snop  }
__scs_overlays_trampoline_lowered:
0x8: {  	[smem:$0x3FA8] =	sst s0  }
0x9: {  	[smem:$0x3FA9] =	sst s1  }
0xa: {  	[smem:$0x3FAA] =	sst s2  }
0xb: {  	[smem:$0x3FAB] =	sst s3  }
0xc: {  	[smem:$0x3FAC] =	sst s4  }
0xd: {  	[smem:$0x3FAD] =	sst s5  }
0xe: {  	[smem:$0x3FAE] =	sst s6  }
0xf: {  	[smem:$0x3FAF] =	sst s7  }
0x10: {  	[smem:$0x3FB0] =	sst s8  }
0x11: {  	[smem:$0x3FB1] =	sst s9;
	s0 =	simm.s32 @!p0 $0x0  }
0x12: {  	s1 =	sld [smem:$0x3F97];
	s0 =	simm.s32 @p0 $0x1  }
0x13: {  	[smem:$0x3FB2] =	sst s0;
	s0 =	simm.s32 @!p1 $0x0  }
0x14: {  	s2 =	sld [smem:$0x3F96];
	s0 =	simm.s32 @p1 $0x1  }
0x15: {  	[smem:$0x3FB3] =	sst s0;
	s0 =	simm.s32 @!p2 $0x0  }
0x16: {  	s3 =	sld [smem:$0x3FDB];
	s0 =	simm.s32 @p2 $0x1  }
0x17: {  	s4 =	simm.s32 $0x1BF5;
	[smem:$0x3FB5] =	sst s0  }
0x18: {  	s0 =	sld [smem:$0x3F98];
	_ =	swait.ge [sflag:s4], $0x0  }
0x19: {  	s7 =	sld [smem:$0x3F99]  }
0x1a: {  	s8 =	sadd.s32 $0xFFFFE003, lr  }
0x1b: {  	s9 =	sadd.s32 $0xFFFFFEF7, lr;
	s5 =	simm.s32 $0xFFFFFFFF;
	p2 =	slt.u32 s8, $0xFFFFF086  }
0x1c: {  	p1 =	slt.u32 s9, $0xF7A;
	s5 =	simm.s32 @!p2 $0x0  }
0x1d: {  	s5 =	simm.s32 @p1 $0x1;
	p0 =	seq.s32 s7, s2  }
0x1e: {  	s7 =	smul.u32 @!p0 $0xF7A, s2;
	p2 =	seq.s32 @!p0 s5, $0x0  }
0x1f: {  	s9 =	smul.u32 $0xF7A, s1;
	s8 =	simm.s32 @!p0 $0x1BF5;
	p2 =	por !p2, p0  }
0x20: {  	[sflag:s8] =	ssyncset.s32 @!p0 $0xFFFFF086;
	s6 =	sadd.s32 @!p0 s3, s7;
	s7 =	simm.s32 @!p0 $0x108  }
0x21: {  	s3 =	sadd.s32 s3, s9;
	s6 =	sadd.s32 @!p0 $0x88, s6;
	s7 =	simm.s32 @p2 $0x1082  }
0x22: {  	[simem:s7], [sflag:s8] =	dma.local @!p0 [hbm:s6], $0xF7A  }
0x23: {  	s9 =	sor.u32 $0xD0000000, s2;
	s6 =	simm.s32 $0x108;
	_ =	swait.ge @!p0 [sflag:s8], $0x0  }
0x24: {  	s3 =	sadd.s32 $0x88, s3;
	s6 =	simm.s32 @!p1 $0x1082;
	[sflag:s4] =	ssyncset.s32 $0xFFFFF086  }
0x25: {  	[simem:s6], [sflag:s4] =	dma.local [hbm:s3], $0xF7A  }
0x26: {  	[smem:$0x3F99] =	sst s1;
	(tag) =	ssettag s2;
	_ =	strace s9  }
0x27: {  	s1 =	sld [smem:$0x3FA9]  }
0x28: {  	s2 =	sld [smem:$0x3FAA]  }
0x29: {  	s4 =	sld [smem:$0x3FAC]  }
0x2a: {  	p0 =	seq.s32 s5, $0x0;
	s5 =	sld [smem:$0x3FAD]  }
0x2b: {  	s6 =	sld [smem:$0x3FAE]  }
0x2c: {  	s7 =	sld [smem:$0x3FAF]  }
0x2d: {  	s3 =	simm.s32 $0x108;
	s8 =	sld [smem:$0x3FB0]  }
0x2e: {  	s3 =	simm.s32 @!p0 $0x1082;
	s9 =	sld [smem:$0x3FB1]  }
0x2f: {  	lr =	sadd.s32 s0, s3;
	s0 =	sld [smem:$0x3FA8]  }
0x30: {  	s3 =	sld [smem:$0x3FAB]  }
0x31: {  	[smem:$0x3FB4] =	sst s10  }
0x32: {  	s10 =	sld [smem:$0x3FB2];
	_ =	sdelay $0x3  }
0x33: {  	p0 =	seq.s32 s10, $0x1;
	s10 =	sld [smem:$0x3FB4];
	_ =	sdelay $0x3  }
0x34: {  	[smem:$0x3FB4] =	sst s10  }
0x35: {  	s10 =	sld [smem:$0x3FB3];
	_ =	sdelay $0x3  }
0x36: {  	p1 =	seq.s32 s10, $0x1;
	s10 =	sld [smem:$0x3FB4];
	_ =	sdelay $0x3  }
0x37: {  	[smem:$0x3FB4] =	sst s10  }
0x38: {  	s10 =	sld [smem:$0x3FB5]  }
0x39: {  	_ = 	snop;
	(pc) =	sbr.ind lr, $3  }
0x3a: {  	_ = 	snop  }
0x3b: {  	_ = 	snop  }
0x3c: {  	p2 =	seq.s32 s10, $0x1;
	s10 =	sld [smem:$0x3FB4]  }
0x3d: {  	_ =	shalt  }
0x3e: {  	_ =	shalt  }
0x3f: {  	_ =	shalt  }
0x40: {  	_ =	shalt  }
0x41: {  	_ =	shalt  }
0x42: {  	_ =	shalt  }
0x43: {  	_ =	shalt  }
0x44: {  	_ =	shalt  }
0x45: {  	_ =	shalt  }
0x46: {  	_ =	shalt  }
0x47: {  	_ =	shalt  }
0x48: {  	_ =	shalt  }
0x49: {  	_ =	shalt  }
0x4a: {  	_ =	shalt  }
0x4b: {  	_ =	shalt  }
0x4c: {  	_ =	shalt  }
0x4d: {  	_ =	shalt  }
0x4e: {  	_ =	shalt  }
0x4f: {  	_ =	shalt  }
0x50: {  	_ =	shalt  }
0x51: {  	_ =	shalt  }
0x52: {  	_ =	shalt  }
0x53: {  	_ =	shalt  }
0x54: {  	_ =	shalt  }
0x55: {  	_ =	shalt  }
0x56: {  	_ =	shalt  }
0x57: {  	_ =	shalt  }
0x58: {  	_ =	shalt  }
0x59: {  	_ =	shalt  }
0x5a: {  	_ =	shalt  }
0x5b: {  	_ =	shalt  }
0x5c: {  	_ =	shalt  }
0x5d: {  	_ =	shalt  }
0x5e: {  	_ =	shalt  }
0x5f: {  	_ =	shalt  }
0x60: {  	_ =	shalt  }
0x61: {  	_ =	shalt  }
0x62: {  	_ =	shalt  }
0x63: {  	_ =	shalt  }
0x64: {  	_ =	shalt  }
0x65: {  	_ =	shalt  }
0x66: {  	_ =	shalt  }
0x67: {  	_ =	shalt  }
0x68: {  	_ =	shalt  }
0x69: {  	_ =	shalt  }
0x6a: {  	_ =	shalt  }
0x6b: {  	_ =	shalt  }
0x6c: {  	_ =	shalt  }
0x6d: {  	_ =	shalt  }
0x6e: {  	_ =	shalt  }
0x6f: {  	_ =	shalt  }
0x70: {  	_ =	shalt  }
0x71: {  	_ =	shalt  }
0x72: {  	_ =	shalt  }
0x73: {  	_ =	shalt  }
0x74: {  	_ =	shalt  }
0x75: {  	_ =	shalt  }
0x76: {  	_ =	shalt  }
0x77: {  	_ =	shalt  }
0x78: {  	_ =	shalt  }
0x79: {  	_ =	shalt  }
0x7a: {  	_ =	shalt  }
0x7b: {  	_ =	shalt  }
0x7c: {  	_ =	shalt  }
0x7d: {  	_ =	shalt  }
0x7e: {  	_ =	shalt  }
0x7f: {  	_ =	shalt  }
0x80: {  	_ =	shalt  }
0x81: {  	_ =	shalt  }
0x82: {  	_ =	shalt  }
0x83: {  	_ =	shalt  }
0x84: {  	_ =	shalt  }
0x85: {  	_ =	shalt  }
0x86: {  	_ =	shalt  }
0x87: {  	_ =	shalt  }
.Lfunc_end0:
.L_simem_size_0:
called_computation.2_lowered:
.L_overlay_start_0:
0x88: {  	s2 =	sld [smem:$0x3FD9]  }
0x89: {  	s3 =	sld [smem:$0x3FFE];
	_ =	sdelay $0x1  }
0x8a: {  	s1 =	srdreg.scid  }
0x8b: {  	s0 =	sand.u32 $0x1, s1  }
0x8c: {  	s17 =	sshll.u32 s0, $0xA;
	s2 =	sadd.s32 s3, s2  }
0x8d: {  	s2 =	sadd.s32 s2, s17  }
0x8e: {  	[smem:$0x3FC0] =	sst s2  }
0x8f: {  	_ = 	snop  }
0x90: {  	s2 =	sld [smem:$0x3FD0];
	(tm) =	ssettm $0x1  }
0x91: {  	s18 =	sld [smem:$0x3FFB];
	_ =	sdelay $0x3  }
0x92: {  	_ =	strace s18  }
0x93: {  	s3 =	sld [smem:$0x3FFC];
	_ =	sdelay $0x3  }
0x94: {  	_ =	strace s3  }
0x95: {  	s3 =	sld [smem:$0x3FFD];
	_ =	sdelay $0x3  }
0x96: {  	_ =	strace s3  }
0x97: {  	_ =	strace $0x8FFFFFFF  }
0x98: {  	s19 =	sld [smem:$0x3FDB];
	_ =	sdelay $0x1  }
0x99: {  	s4 =	simm.s32 $_scs_section_size  }
0x9a: {  	s5 =	simm.s32 $_size__tile_overlayer_lowered;
	s6 =	simm.s32 $_tile_overlayer_lowered  }
0x9b: {  	s22 =	simm.s32 $0x1BFF;
	s21 =	sshll.u32 s6, $0x1;
	s3 =	sadd.s32 s4, s19  }
0x9c: {  	s7 =	simm.s32 $0x0;
	s20 =	sshll.u32 s5, $0x1;
	s5 =	sadd.s32 s21, s3  }
0x9d: {  	[timem:s7], [sflag:s22] =	dma.local [hbm:s5], s20  }
0x9e: {  	_ =	swait.ge [sflag:s22], s20  }
0x9f: {  	s4 =	ssub.s32 $0x0, s20;
	[sflag:s22] =	ssyncset.done $0x0  }
0xa0: {  	[sflag:s22] =	ssyncadd.s32 s4;
	_ =	sdelay $0x1  }
0xa1: {  	s23 =	simm.s32 $0x1B8B  }
0xa2: {  	_ =	swait.ge [sflag:s23], $0x1  }
0xa3: {  	[sflag:s23] =	ssyncset.done $0x0  }
0xa4: {  	s25 =	simm.s32 $0x1B8E;
	s24 =	sld [smem:$0x3FFE];
	[sflag:s23] =	ssyncadd.s32 $0xFFFFFFFF  }
0xa5: {  	s26 =	simm.s32 $execute0_lowered;
	[smem:$0x3FD2] =	sst s25  }
0xa6: {  	s5 =	sshll.u32 s26, $0x1;
	_ =	strace $0x8000004C;
	[dreg:$0x1] =	wrdreg $0xFFFFFFFF  }
0xa7: {  	s28 =	simm.s32 $_size_execute0_lowered;
	s3 =	sadd.s32 s3, s5;
	[dreg:$0x0] =	wrdreg $0x0  }
0xa8: {  	s5 =	sshll.u32 s28, $0x1;
	[dreg:$0x2] =	wrdreg s3  }
0xa9: {  	[dreg:$0x3] =	wrdreg s5  }
0xaa: {  	[dreg:$0x4] =	wrdreg $0xC0  }
0xab: {  	_ =	task [dreg:s7], $0x5FFFF  }
0xac: {  	[dreg:$0x1] =	wrdreg $0xFFFFFFFF  }
0xad: {  	[dreg:$0x0] =	wrdreg $0x60  }
0xae: {  	[dreg:$0x2] =	wrdreg s2  }
0xaf: {  	[dreg:$0x3] =	wrdreg s24  }
0xb0: {  	[dreg:$0x4] =	wrdreg $0x82000  }
0xb1: {  	[dreg:$0x5] =	wrdreg $0x9  }
0xb2: {  	_ =	task.clear_ibuf [dreg:s7], $0x6FFFF;
	_ =	strace $0x9000004C  }
0xb3: {  	s29 =	simm.s32 $0x9;
	_ =	strace $0x8000004E  }
0xb4: {  	_ =	swait.ge [sflag:s29], $0x1  }
0xb5: {  	[sflag:s29] =	ssyncadd.s32 $0xFFFFFFFF  }
0xb6: {  	_ =	strace $0x9000004E  }
0xb7: {  	_ =	sfence  }
0xb8: {  	s30 =	sld [smem:$0x0];
	_ =	sdelay $0x2  }
0xb9: {  	s31 =	sshll.u32 s1, $0xD;
	s1 =	sshrl.u32 s1, $0x2  }
0xba: {  	s3 =	sand.u32 $0x4000, s31;
	s1 =	sadd.s32 s1, s30  }
0xbb: {  	s0 =	sor.u32 s3, s0;
	s1 =	sshll.u32 s1, $0x11  }
0xbc: {  	s0 =	sor.u32 s1, s0  }
0xbd: {  	s0 =	sadd.s32 $0x8F2B, s0  }
0xbe: {  	[sflag:s0] =	ssyncadd.remote.s32 $0x1  }
0xbf: {  	_ =	sfence.sel $0xFFFF  }
0xc0: {  	[dreg:$0x0] =	wrdreg $0xFFFFFFFF;
	(pc) =	sbr.abs _section_cstart, $3  }
0xc1: {  	[dreg:$0x1] =	wrdreg $0xFFFFFFFF  }
0xc2: {  	_ =	task.clear_ibuf [dreg:s7], $0x2FFFF;
	_ =	strace $0x9FFFFFFF  }
0xc3: {  	(tm) =	ssettm $0x7FFFFFFF  }
tec
execute0_lowered:
.L_overlay_start_1:
0x0: {  	(tag) =	ssettag $0x1  }
0x1: {  	s1 =	rddreg [dreg:$0x0]  }
0x2: {  	s5 =	rddreg [dreg:$0x1]  }
0x3: {  	s3 =	rddreg [dreg:$0x2];
	s4 =	simm.s32 $0x0;
	s2 =	stileid.u32  }
0x4: {  	s6 =	srdreg.scid;
	s19 =	simm.s32 $0x100;
	s20 =	simm.s32 $0x80  }
0x5: {  	s28 =	simm.s32 $0x4;
	s29 =	simm.s32 $0x0;
	[smem:$0x7FF] =	sst s4  }
0x6: {  	s7 =	smul.u32 $0x2800, s2;
	s6 =	sand.u32 $0x1, s6;
	s16 =	sadd.s32 $0x84A00, s5  }
0x7: {  	s15 =	sadd.s32 $0x2A00, s5;
	s22 =	smul.u32 $0x50000, s2;
	s30 =	sshll.u32 s2, $0x6  }
0x8: {  	_ =	strace $0x8000004D;
	s8 =	smul.u32 $0x28000, s6;
	s21 =	sshll.u32 s6, $0x4  }
0x9: {  	s23 =	ssub.s32 $0x2, s6;
	s6 =	sor.u32 $0x1C05, s30;
	s9 =	sadd.s32 s7, s5  }
0xa: {  	s24 =	sor.u32 s2, s21;
	s25 =	sshrl.u32 s23, $0x1;
	s26 =	sshrl.u32 s22, $0x2  }
0xb: {  	s21 =	simm.s32 $0x200;
	s22 =	simm.s32 $0x180;
	s12 =	sadd.s32 s7, s8  }
0xc: {  	s10 =	smul.u32 $0x2800, s24;
	s13 =	ssub.s32 s23, s25;
	s17 =	sadd.s32 s26, s3  }
0xd: {  	s23 =	simm.s32 $0x4200;
	s24 =	simm.s32 $0x1;
	s25 =	simm.s32 $0x2  }
0xe: {  	s26 =	simm.s32 $0x3;
	s11 =	sadd.s32 s12, s5;
	s5 =	sadd.s32 $0xCA00, s9  }
0xf: {  	s14 =	sor.u32 $0x180, s12;
	s18 =	sor.u32 $0x100, s12;
	s12 =	smax.u32 s13, $0x1  }
0x10: {  	s17 =	sshrl.u32 s17, $0x3;
	s31 =	sshrl.u32 s10, $0x3;
	s11 =	sadd.s32 $0x34A00, s11  }
0x11: {  	s14 =	sshrl.u32 s14, $0x3;
	s18 =	sshrl.u32 s18, $0x3;
	s7 =	sadd.s32 s16, s31  }
0x12: {  	s8 =	sadd.s32 s15, s31;
	s10 =	sor.u32 $0x10, s31;
	s13 =	sadd.s32 s14, s15  }
0x13: {  	s14 =	sadd.s32 s14, s16;
	s9 =	sadd.s32 s16, s10;
	s10 =	sadd.s32 s15, s10  }
0x14: {  	s15 =	sadd.s32 s18, s15;
	s16 =	sadd.s32 s18, s16;
	s18 =	simm.s32 $0x5  }
.LBB2_1:
0x15: {  	[spmem:s17], [sflag:s6] =	dma.local [hbm:s5], $0x2800  }
0x16: {  	_ =	swait.ge [sflag:s18], $0x2800  }
0x17: {  	[sflag:s18] =	ssyncset.done $0x0  }
0x18: {  	[sflag:s18] =	ssyncadd.s32 $0xFFFFD800  }
0x19: {  	[tilespmem:s4], [sflag:$0x5] =	stream.linear.gather [hbm4b:s7+s4], $0x80, $0x38;
	[tilespmem:$0x1C200] =	vst v63  }
0x1a: {  	_ =	swait.ge [sflag:s18], $0x80  }
0x1b: {  	[sflag:s18] =	ssyncset.done $0x0  }
0x1c: {  	[sflag:s18] =	ssyncadd.s32 $0xFFFFFF80  }
0x1d: {  	[tilespmem:s19], [sflag:$0x5] =	stream.linear.gather [hbm4b:s8+s4], $0x80, $0x38;
	[tilespmem:$0x1C200] =	vst v63  }
0x1e: {  	_ =	swait.ge [sflag:s18], $0x80  }
0x1f: {  	[sflag:s18] =	ssyncset.done $0x0  }
0x20: {  	[sflag:s18] =	ssyncadd.s32 $0xFFFFFF80  }
0x21: {  	[tilespmem:s21], [sflag:$0x1] =	stream.indirect.gather [hbm4b:s1+s20], $0x80, s4, s20, $0xb8;
	[tilespmem:$0x1C200] =	vst v63  }
0x22: {  	_ = 	snop  }
0x23: {  	[tilespmem:s20], [sflag:$0x5] =	stream.linear.gather [hbm4b:s9+s4], $0x80, $0x38;
	[tilespmem:$0x1C200] =	vst v63  }
0x24: {  	_ =	swait.ge [sflag:s18], $0x80  }
0x25: {  	[sflag:s18] =	ssyncset.done $0x0  }
0x26: {  	[sflag:s18] =	ssyncadd.s32 $0xFFFFFF80  }
0x27: {  	[tilespmem:s22], [sflag:$0x5] =	stream.linear.gather [hbm4b:s10+s4], $0x80, $0x38;
	[tilespmem:$0x1C200] =	vst v63  }
0x28: {  	_ =	swait.ge [sflag:s18], $0x80  }
0x29: {  	[sflag:s18] =	ssyncset.done $0x0  }
0x2a: {  	[sflag:s18] =	ssyncadd.s32 $0xFFFFFF80  }
0x2b: {  	[tilespmem:s23], [sflag:$0x2] =	stream.indirect.gather [hbm4b:s1+s20], $0x80, s20, s20, $0xb8;
	[tilespmem:$0x1C200] =	vst v63  }
0x2c: {  	[bflag:$0x0] =	sbarrier.arrive $0xFFFF  }
0x2d: {  	_ =	swait.ge [sflag:s24], $0x4000  }
0x2e: {  	[sflag:s24] =	ssyncset.done $0x0  }
0x2f: {  	[sflag:s24] =	ssyncadd.s32 $0xFFFFC000  }
0x30: {  	[spmem:s3] =	stream.indirect.scatter.add.f32 [tilespmem:s21], [sflag:$0x3], $0x80, s19, s20, $0xb8;
	[tilespmem:$0x1C200] =	vst v63  }
0x31: {  	_ =	swait.ge [sflag:s25], $0x4000  }
0x32: {  	[sflag:s25] =	ssyncset.done $0x0  }
0x33: {  	[sflag:s25] =	ssyncadd.s32 $0xFFFFC000  }
0x34: {  	[spmem:s3] =	stream.indirect.scatter.add.f32 [tilespmem:s23], [sflag:$0x4], $0x80, s22, s20, $0xb8;
	[tilespmem:$0x1C200] =	vst v63  }
0x35: {  	s30 =	sadd.s32 $0x0, s16  }
0x36: {  	[tilespmem:s4], [sflag:$0x5] =	stream.linear.gather [hbm4b:s30+s4], $0x80, $0x38;
	[tilespmem:$0x1C200] =	vst v63  }
0x37: {  	_ =	swait.ge [sflag:s18], $0x80  }
0x38: {  	[sflag:s18] =	ssyncset.done $0x0  }
0x39: {  	[sflag:s18] =	ssyncadd.s32 $0xFFFFFF80  }
0x3a: {  	_ =	swait.ge [sflag:s26], $0x4000  }
0x3b: {  	[sflag:s26] =	ssyncset.done $0x0  }
0x3c: {  	s30 =	sadd.s32 $0x0, s15;
	[sflag:s26] =	ssyncadd.s32 $0xFFFFC000  }
0x3d: {  	[tilespmem:s19], [sflag:$0x5] =	stream.linear.gather [hbm4b:s30+s4], $0x80, $0x38;
	[tilespmem:$0x1C200] =	vst v63  }
0x3e: {  	_ =	swait.ge [sflag:s18], $0x80  }
0x3f: {  	[sflag:s18] =	ssyncset.done $0x0  }
0x40: {  	[sflag:s18] =	ssyncadd.s32 $0xFFFFFF80  }
0x41: {  	[tilespmem:s21], [sflag:$0x1] =	stream.indirect.gather [hbm4b:s1+s20], $0x80, s4, s20, $0xb8;
	[tilespmem:$0x1C200] =	vst v63  }
0x42: {  	s30 =	sadd.s32 $0x0, s14  }
0x43: {  	[tilespmem:s20], [sflag:$0x5] =	stream.linear.gather [hbm4b:s30+s4], $0x80, $0x38;
	[tilespmem:$0x1C200] =	vst v63  }
0x44: {  	_ =	swait.ge [sflag:s18], $0x80  }
0x45: {  	[sflag:s18] =	ssyncset.done $0x0  }
0x46: {  	[sflag:s18] =	ssyncadd.s32 $0xFFFFFF80  }
0x47: {  	_ =	swait.ge [sflag:s28], $0x4000  }
0x48: {  	[sflag:s28] =	ssyncset.done $0x0  }
0x49: {  	s30 =	sadd.s32 $0x0, s13;
	[sflag:s28] =	ssyncadd.s32 $0xFFFFC000  }
0x4a: {  	[tilespmem:s22], [sflag:$0x5] =	stream.linear.gather [hbm4b:s30+s4], $0x80, $0x38;
	[tilespmem:$0x1C200] =	vst v63  }
0x4b: {  	_ =	swait.ge [sflag:s18], $0x80  }
0x4c: {  	[sflag:s18] =	ssyncset.done $0x0  }
0x4d: {  	s30 =	simm.s32 $0x20;
	[sflag:s18] =	ssyncadd.s32 $0xFFFFFF80  }
.LBB2_2:
0x4e: {  	[tilespmem:s23], [sflag:$0x2] =	stream.indirect.gather [hbm4b:s1+s20], $0x80, s20, s20, $0xb8;
	[tilespmem:$0x1C200] =	vst v63  }
0x4f: {  	s31 =	smov.u32 s30  }
0x50: {  	p0 =	sne.s32 s30, $0x4C0;
	s30 =	sadd.s32 $0x20, s30;
	_ =	swait.ge [sflag:s24], $0x4000  }
0x51: {  	[sflag:s24] =	ssyncset.done $0x0  }
0x52: {  	[sflag:s24] =	ssyncadd.s32 $0xFFFFC000  }
0x53: {  	[spmem:s3] =	stream.indirect.scatter.add.f32 [tilespmem:s21], [sflag:$0x3], $0x80, s19, s20, $0xb8;
	[tilespmem:$0x1C200] =	vst v63  }
0x54: {  	_ =	swait.ge [sflag:s25], $0x4000  }
0x55: {  	[sflag:s25] =	ssyncset.done $0x0  }
0x56: {  	[sflag:s25] =	ssyncadd.s32 $0xFFFFC000  }
0x57: {  	[spmem:s3] =	stream.indirect.scatter.add.f32 [tilespmem:s23], [sflag:$0x4], $0x80, s22, s20, $0xb8;
	[tilespmem:$0x1C200] =	vst v63  }
0x58: {  	s0 =	sadd.s32 s31, s16  }
0x59: {  	[tilespmem:s4], [sflag:$0x5] =	stream.linear.gather [hbm4b:s0+s4], $0x80, $0x38;
	[tilespmem:$0x1C200] =	vst v63  }
0x5a: {  	_ =	swait.ge [sflag:s18], $0x80  }
0x5b: {  	[sflag:s18] =	ssyncset.done $0x0  }
0x5c: {  	[sflag:s18] =	ssyncadd.s32 $0xFFFFFF80  }
0x5d: {  	_ =	swait.ge [sflag:s26], $0x4000  }
0x5e: {  	[sflag:s26] =	ssyncset.done $0x0  }
0x5f: {  	s0 =	sadd.s32 s31, s15;
	[sflag:s26] =	ssyncadd.s32 $0xFFFFC000  }
0x60: {  	[tilespmem:s19], [sflag:$0x5] =	stream.linear.gather [hbm4b:s0+s4], $0x80, $0x38;
	[tilespmem:$0x1C200] =	vst v63  }
0x61: {  	_ =	swait.ge [sflag:s18], $0x80  }
0x62: {  	[sflag:s18] =	ssyncset.done $0x0  }
0x63: {  	[sflag:s18] =	ssyncadd.s32 $0xFFFFFF80  }
0x64: {  	[tilespmem:s21], [sflag:$0x1] =	stream.indirect.gather [hbm4b:s1+s20], $0x80, s4, s20, $0xb8;
	[tilespmem:$0x1C200] =	vst v63  }
0x65: {  	s0 =	sadd.s32 s31, s14  }
0x66: {  	[tilespmem:s20], [sflag:$0x5] =	stream.linear.gather [hbm4b:s0+s4], $0x80, $0x38;
	[tilespmem:$0x1C200] =	vst v63  }
0x67: {  	_ =	swait.ge [sflag:s18], $0x80  }
0x68: {  	[sflag:s18] =	ssyncset.done $0x0  }
0x69: {  	[sflag:s18] =	ssyncadd.s32 $0xFFFFFF80  }
0x6a: {  	_ =	swait.ge [sflag:s28], $0x4000  }
0x6b: {  	[sflag:s28] =	ssyncset.done $0x0  }
.Ltmp0:
0x6c: {  	s0 =	sadd.s32 s31, s13;
	[sflag:s28] =	ssyncadd.s32 $0xFFFFC000;
	(pc) =	sbr.rel @p0 .LBB2_2-.Ltmp0, $4  }
0x6d: {  	[tilespmem:s22], [sflag:$0x5] =	stream.linear.gather [hbm4b:s0+s4], $0x80, $0x38;
	[tilespmem:$0x1C200] =	vst v63  }
0x6e: {  	_ =	swait.ge [sflag:s18], $0x80  }
0x6f: {  	[sflag:s18] =	ssyncset.done $0x0  }
0x70: {  	[sflag:s18] =	ssyncadd.s32 $0xFFFFFF80  }
0x71: {  	[tilespmem:s23], [sflag:$0x2] =	stream.indirect.gather [hbm4b:s1+s20], $0x80, s20, s20, $0xb8;
	[tilespmem:$0x1C200] =	vst v63  }
0x72: {  	_ =	swait.ge [sflag:s24], $0x4000  }
0x73: {  	[sflag:s24] =	ssyncset.done $0x0  }
0x74: {  	[sflag:s24] =	ssyncadd.s32 $0xFFFFC000  }
0x75: {  	[spmem:s3] =	stream.indirect.scatter.add.f32 [tilespmem:s21], [sflag:$0x3], $0x80, s19, s20, $0xb8;
	[tilespmem:$0x1C200] =	vst v63  }
0x76: {  	_ =	swait.ge [sflag:s25], $0x4000  }
0x77: {  	[sflag:s25] =	ssyncset.done $0x0  }
0x78: {  	[sflag:s25] =	ssyncadd.s32 $0xFFFFC000  }
0x79: {  	[spmem:s3] =	stream.indirect.scatter.add.f32 [tilespmem:s23], [sflag:$0x4], $0x80, s22, s20, $0xb8;
	[tilespmem:$0x1C200] =	vst v63  }
0x7a: {  	_ =	swait.ge [sflag:s26], $0x4000  }
0x7b: {  	[sflag:s26] =	ssyncset.done $0x0  }
0x7c: {  	[sflag:s26] =	ssyncadd.s32 $0xFFFFC000  }
0x7d: {  	_ =	swait.ge [sflag:s28], $0x4000  }
0x7e: {  	s29 =	sadd.s32 $0x1, s29;
	[sflag:s28] =	ssyncset.done $0x0  }
0x7f: {  	p0 =	sne.s32 s29, s12;
	[sflag:s28] =	ssyncadd.s32 $0xFFFFC000  }
.Ltmp1:
0x80: {  	[bflag:$0x0] =	sbarrier.arrive $0xFFFF;
	(pc) =	sbr.rel @p0 .LBB2_1-.Ltmp1, $4  }
0x81: {  	[hbm:s11], [sflag:s6] =	dma.local [spmem:s17], $0x2800  }
0x82: {  	_ =	swait.ge [sflag:s18], $0x2800  }
0x83: {  	[sflag:s18] =	ssyncset.done $0x0  }
0x84: {  	[sflag:s18] =	ssyncadd.s32 $0xFFFFD800  }
0x85: {  	_ =	sfence.sel $0x180000  }
0x86: {  	[bflag:$0x0] =	sbarrier.arrive $0xFFFF  }
0x87: {  	_ =	strace $0x9000004D  }
0x88: {  	[bflag:$0x2] =	sbarrier.arrive $0xFFFF  }
0x89: {  	p0 =	sne.s32 s2, $0x0;
	s0 =	rddreg [dreg:$0x3]  }
0x8a: {  	s0 =	sadd.s32 @!p0 $0x100000, s0  }
0x8b: {  	[sflag:s0] =	ssyncadd.tile.s32 @!p0 $0x1;
	_ =	shalt  }
.Lfunc_end2:
_tile_overlayer_lowered:
.L_overlay_start_2:
0x8c: {  	(tag) =	ssettag $0x2  }
0x8d: {  	s0 =	rddreg [dreg:$0x0];
	s2 =	stileid.u32  }
0x8e: {  	s1 =	rddreg [dreg:$0x1];
	p0 =	sne.s32 s2, $0x0  }
0x8f: {  	s3 =	rddreg [dreg:$0x2];
	[bflag:$0x3] =	sbarrier.arrive $0xFFFF;
	s2 =	simm.s32 @!p0 $0x1C05  }
0x90: {  	[timem:s3], [sflag:s2] =	dma.local @!p0 [hbm:s0], s1  }
0x91: {  	s0 =	simm.s32 @!p0 $0x5  }
0x92: {  	_ =	swait.ge @!p0 [sflag:s0], s1  }
0x93: {  	s1 =	ssub.s32 @!p0 $0x0, s1;
	[sflag:s0] =	ssyncset.done @!p0 $0x0  }
0x94: {  	[sflag:s0] =	ssyncadd.s32 @!p0 s1  }
0x95: {  	[bflag:$0x3] =	sbarrier.arrive $0xFFFF  }
0x96: {  	_ =	shalt  }

// kernel: kernel.19.cloned.1.call-start
scs
__scs_entry_jumppad:
0x0: {  	(pc) =	sbr.rel $0x88, $3  }
0x1: {  	(tag) =	ssettag $0x0;
	lr =	simm.s32 $0x1  }
0x2: {  	[smem:$0x3F99] =	sst lr;
	_ =	strace $0xD0000000  }
0x3: {  	_ = 	snop  }
0x4: {  	_ = 	snop  }
0x5: {  	_ = 	snop  }
0x6: {  	_ = 	snop  }
0x7: {  	_ = 	snop  }
__scs_overlays_trampoline_lowered:
0x8: {  	[smem:$0x3FA8] =	sst s0  }
0x9: {  	[smem:$0x3FA9] =	sst s1  }
0xa: {  	[smem:$0x3FAA] =	sst s2  }
0xb: {  	[smem:$0x3FAB] =	sst s3  }
0xc: {  	[smem:$0x3FAC] =	sst s4  }
0xd: {  	[smem:$0x3FAD] =	sst s5  }
0xe: {  	[smem:$0x3FAE] =	sst s6  }
0xf: {  	[smem:$0x3FAF] =	sst s7  }
0x10: {  	[smem:$0x3FB0] =	sst s8  }
0x11: {  	[smem:$0x3FB1] =	sst s9;
	s0 =	simm.s32 @!p0 $0x0  }
0x12: {  	s1 =	sld [smem:$0x3F97];
	s0 =	simm.s32 @p0 $0x1  }
0x13: {  	[smem:$0x3FB2] =	sst s0;
	s0 =	simm.s32 @!p1 $0x0  }
0x14: {  	s2 =	sld [smem:$0x3F96];
	s0 =	simm.s32 @p1 $0x1  }
0x15: {  	[smem:$0x3FB3] =	sst s0;
	s0 =	simm.s32 @!p2 $0x0  }
0x16: {  	s3 =	sld [smem:$0x3FDB];
	s0 =	simm.s32 @p2 $0x1  }
0x17: {  	s4 =	simm.s32 $0x1BF5;
	[smem:$0x3FB5] =	sst s0  }
0x18: {  	s0 =	sld [smem:$0x3F98];
	_ =	swait.ge [sflag:s4], $0x0  }
0x19: {  	s7 =	sld [smem:$0x3F99]  }
0x1a: {  	s8 =	sadd.s32 $0xFFFFE003, lr  }
0x1b: {  	s9 =	sadd.s32 $0xFFFFFEF7, lr;
	s5 =	simm.s32 $0xFFFFFFFF;
	p2 =	slt.u32 s8, $0xFFFFF086  }
0x1c: {  	p1 =	slt.u32 s9, $0xF7A;
	s5 =	simm.s32 @!p2 $0x0  }
0x1d: {  	s5 =	simm.s32 @p1 $0x1;
	p0 =	seq.s32 s7, s2  }
0x1e: {  	s7 =	smul.u32 @!p0 $0xF7A, s2;
	p2 =	seq.s32 @!p0 s5, $0x0  }
0x1f: {  	s9 =	smul.u32 $0xF7A, s1;
	s8 =	simm.s32 @!p0 $0x1BF5;
	p2 =	por !p2, p0  }
0x20: {  	[sflag:s8] =	ssyncset.s32 @!p0 $0xFFFFF086;
	s6 =	sadd.s32 @!p0 s3, s7;
	s7 =	simm.s32 @!p0 $0x108  }
0x21: {  	s3 =	sadd.s32 s3, s9;
	s6 =	sadd.s32 @!p0 $0x88, s6;
	s7 =	simm.s32 @p2 $0x1082  }
0x22: {  	[simem:s7], [sflag:s8] =	dma.local @!p0 [hbm:s6], $0xF7A  }
0x23: {  	s9 =	sor.u32 $0xD0000000, s2;
	s6 =	simm.s32 $0x108;
	_ =	swait.ge @!p0 [sflag:s8], $0x0  }
0x24: {  	s3 =	sadd.s32 $0x88, s3;
	s6 =	simm.s32 @!p1 $0x1082;
	[sflag:s4] =	ssyncset.s32 $0xFFFFF086  }
0x25: {  	[simem:s6], [sflag:s4] =	dma.local [hbm:s3], $0xF7A  }
0x26: {  	[smem:$0x3F99] =	sst s1;
	(tag) =	ssettag s2;
	_ =	strace s9  }
0x27: {  	s1 =	sld [smem:$0x3FA9]  }
0x28: {  	s2 =	sld [smem:$0x3FAA]  }
0x29: {  	s4 =	sld [smem:$0x3FAC]  }
0x2a: {  	p0 =	seq.s32 s5, $0x0;
	s5 =	sld [smem:$0x3FAD]  }
0x2b: {  	s6 =	sld [smem:$0x3FAE]  }
0x2c: {  	s7 =	sld [smem:$0x3FAF]  }
0x2d: {  	s3 =	simm.s32 $0x108;
	s8 =	sld [smem:$0x3FB0]  }
0x2e: {  	s3 =	simm.s32 @!p0 $0x1082;
	s9 =	sld [smem:$0x3FB1]  }
0x2f: {  	lr =	sadd.s32 s0, s3;
	s0 =	sld [smem:$0x3FA8]  }
0x30: {  	s3 =	sld [smem:$0x3FAB]  }
0x31: {  	[smem:$0x3FB4] =	sst s10  }
0x32: {  	s10 =	sld [smem:$0x3FB2];
	_ =	sdelay $0x3  }
0x33: {  	p0 =	seq.s32 s10, $0x1;
	s10 =	sld [smem:$0x3FB4];
	_ =	sdelay $0x3  }
0x34: {  	[smem:$0x3FB4] =	sst s10  }
0x35: {  	s10 =	sld [smem:$0x3FB3];
	_ =	sdelay $0x3  }
0x36: {  	p1 =	seq.s32 s10, $0x1;
	s10 =	sld [smem:$0x3FB4];
	_ =	sdelay $0x3  }
0x37: {  	[smem:$0x3FB4] =	sst s10  }
0x38: {  	s10 =	sld [smem:$0x3FB5]  }
0x39: {  	_ = 	snop;
	(pc) =	sbr.ind lr, $3  }
0x3a: {  	_ = 	snop  }
0x3b: {  	_ = 	snop  }
0x3c: {  	p2 =	seq.s32 s10, $0x1;
	s10 =	sld [smem:$0x3FB4]  }
0x3d: {  	_ =	shalt  }
0x3e: {  	_ =	shalt  }
0x3f: {  	_ =	shalt  }
0x40: {  	_ =	shalt  }
0x41: {  	_ =	shalt  }
0x42: {  	_ =	shalt  }
0x43: {  	_ =	shalt  }
0x44: {  	_ =	shalt  }
0x45: {  	_ =	shalt  }
0x46: {  	_ =	shalt  }
0x47: {  	_ =	shalt  }
0x48: {  	_ =	shalt  }
0x49: {  	_ =	shalt  }
0x4a: {  	_ =	shalt  }
0x4b: {  	_ =	shalt  }
0x4c: {  	_ =	shalt  }
0x4d: {  	_ =	shalt  }
0x4e: {  	_ =	shalt  }
0x4f: {  	_ =	shalt  }
0x50: {  	_ =	shalt  }
0x51: {  	_ =	shalt  }
0x52: {  	_ =	shalt  }
0x53: {  	_ =	shalt  }
0x54: {  	_ =	shalt  }
0x55: {  	_ =	shalt  }
0x56: {  	_ =	shalt  }
0x57: {  	_ =	shalt  }
0x58: {  	_ =	shalt  }
0x59: {  	_ =	shalt  }
0x5a: {  	_ =	shalt  }
0x5b: {  	_ =	shalt  }
0x5c: {  	_ =	shalt  }
0x5d: {  	_ =	shalt  }
0x5e: {  	_ =	shalt  }
0x5f: {  	_ =	shalt  }
0x60: {  	_ =	shalt  }
0x61: {  	_ =	shalt  }
0x62: {  	_ =	shalt  }
0x63: {  	_ =	shalt  }
0x64: {  	_ =	shalt  }
0x65: {  	_ =	shalt  }
0x66: {  	_ =	shalt  }
0x67: {  	_ =	shalt  }
0x68: {  	_ =	shalt  }
0x69: {  	_ =	shalt  }
0x6a: {  	_ =	shalt  }
0x6b: {  	_ =	shalt  }
0x6c: {  	_ =	shalt  }
0x6d: {  	_ =	shalt  }
0x6e: {  	_ =	shalt  }
0x6f: {  	_ =	shalt  }
0x70: {  	_ =	shalt  }
0x71: {  	_ =	shalt  }
0x72: {  	_ =	shalt  }
0x73: {  	_ =	shalt  }
0x74: {  	_ =	shalt  }
0x75: {  	_ =	shalt  }
0x76: {  	_ =	shalt  }
0x77: {  	_ =	shalt  }
0x78: {  	_ =	shalt  }
0x79: {  	_ =	shalt  }
0x7a: {  	_ =	shalt  }
0x7b: {  	_ =	shalt  }
0x7c: {  	_ =	shalt  }
0x7d: {  	_ =	shalt  }
0x7e: {  	_ =	shalt  }
0x7f: {  	_ =	shalt  }
0x80: {  	_ =	shalt  }
0x81: {  	_ =	shalt  }
0x82: {  	_ =	shalt  }
0x83: {  	_ =	shalt  }
0x84: {  	_ =	shalt  }
0x85: {  	_ =	shalt  }
0x86: {  	_ =	shalt  }
0x87: {  	_ =	shalt  }
.Lfunc_end0:
.L_simem_size_0:
called_computation.3_lowered:
.L_overlay_start_0:
0x88: {  	s2 =	sld [smem:$0x3FD9]  }
0x89: {  	s3 =	sld [smem:$0x3FFE];
	_ =	sdelay $0x1  }
0x8a: {  	s1 =	srdreg.scid  }
0x8b: {  	s0 =	sand.u32 $0x1, s1  }
0x8c: {  	s17 =	sshll.u32 s0, $0xA;
	s2 =	sadd.s32 s3, s2  }
0x8d: {  	s2 =	sadd.s32 s2, s17  }
0x8e: {  	[smem:$0x3FC0] =	sst s2  }
0x8f: {  	_ = 	snop  }
0x90: {  	s2 =	sld [smem:$0x3FD0];
	(tm) =	ssettm $0x1  }
0x91: {  	s18 =	sld [smem:$0x3FFB];
	_ =	sdelay $0x3  }
0x92: {  	_ =	strace s18  }
0x93: {  	s3 =	sld [smem:$0x3FFC];
	_ =	sdelay $0x3  }
0x94: {  	_ =	strace s3  }
0x95: {  	s3 =	sld [smem:$0x3FFD];
	_ =	sdelay $0x3  }
0x96: {  	_ =	strace s3  }
0x97: {  	_ =	strace $0x8FFFFFFF  }
0x98: {  	s19 =	sld [smem:$0x3FDB];
	_ =	sdelay $0x1  }
0x99: {  	s4 =	simm.s32 $_scs_section_size  }
0x9a: {  	s5 =	simm.s32 $_size__tile_overlayer_lowered;
	s6 =	simm.s32 $_tile_overlayer_lowered  }
0x9b: {  	s22 =	simm.s32 $0x1BFF;
	s21 =	sshll.u32 s6, $0x1;
	s3 =	sadd.s32 s4, s19  }
0x9c: {  	s7 =	simm.s32 $0x0;
	s20 =	sshll.u32 s5, $0x1;
	s5 =	sadd.s32 s21, s3  }
0x9d: {  	[timem:s7], [sflag:s22] =	dma.local [hbm:s5], s20  }
0x9e: {  	_ =	swait.ge [sflag:s22], s20  }
0x9f: {  	s4 =	ssub.s32 $0x0, s20;
	[sflag:s22] =	ssyncset.done $0x0  }
0xa0: {  	[sflag:s22] =	ssyncadd.s32 s4;
	_ =	sdelay $0x1  }
0xa1: {  	s23 =	simm.s32 $0x1B8B  }
0xa2: {  	_ =	swait.ge [sflag:s23], $0x1  }
0xa3: {  	[sflag:s23] =	ssyncset.done $0x0  }
0xa4: {  	s25 =	simm.s32 $0x1B8E;
	s24 =	sld [smem:$0x3FFE];
	[sflag:s23] =	ssyncadd.s32 $0xFFFFFFFF  }
0xa5: {  	s26 =	simm.s32 $execute0_lowered;
	[smem:$0x3FD2] =	sst s25  }
0xa6: {  	s5 =	sshll.u32 s26, $0x1;
	_ =	strace $0x8000004F;
	[dreg:$0x1] =	wrdreg $0xFFFFFFFF  }
0xa7: {  	s28 =	simm.s32 $_size_execute0_lowered;
	s3 =	sadd.s32 s3, s5;
	[dreg:$0x0] =	wrdreg $0x0  }
0xa8: {  	s5 =	sshll.u32 s28, $0x1;
	[dreg:$0x2] =	wrdreg s3  }
0xa9: {  	[dreg:$0x3] =	wrdreg s5  }
0xaa: {  	[dreg:$0x4] =	wrdreg $0xC0  }
0xab: {  	_ =	task [dreg:s7], $0x5FFFF  }
0xac: {  	[dreg:$0x1] =	wrdreg $0xFFFFFFFF  }
0xad: {  	[dreg:$0x0] =	wrdreg $0x60  }
0xae: {  	[dreg:$0x2] =	wrdreg s2  }
0xaf: {  	[dreg:$0x3] =	wrdreg s24  }
0xb0: {  	[dreg:$0x4] =	wrdreg $0x82000  }
0xb1: {  	[dreg:$0x5] =	wrdreg $0x9  }
0xb2: {  	_ =	task.clear_ibuf [dreg:s7], $0x6FFFF;
	_ =	strace $0x9000004F  }
0xb3: {  	s29 =	simm.s32 $0x9;
	_ =	strace $0x80000051  }
0xb4: {  	_ =	swait.ge [sflag:s29], $0x1  }
0xb5: {  	[sflag:s29] =	ssyncadd.s32 $0xFFFFFFFF  }
0xb6: {  	_ =	strace $0x90000051  }
0xb7: {  	_ =	sfence  }
0xb8: {  	s30 =	sld [smem:$0x0];
	_ =	sdelay $0x2  }
0xb9: {  	s31 =	sshll.u32 s1, $0xD;
	s1 =	sshrl.u32 s1, $0x2  }
0xba: {  	s3 =	sand.u32 $0x4000, s31;
	s1 =	sadd.s32 s1, s30  }
0xbb: {  	s0 =	sor.u32 s3, s0;
	s1 =	sshll.u32 s1, $0x11  }
0xbc: {  	s0 =	sor.u32 s1, s0  }
0xbd: {  	s0 =	sadd.s32 $0x8F2B, s0  }
0xbe: {  	[sflag:s0] =	ssyncadd.remote.s32 $0x1  }
0xbf: {  	_ =	sfence.sel $0xFFFF  }
0xc0: {  	[dreg:$0x0] =	wrdreg $0xFFFFFFFF;
	(pc) =	sbr.abs _section_cstart, $3  }
0xc1: {  	[dreg:$0x1] =	wrdreg $0xFFFFFFFF  }
0xc2: {  	_ =	task.clear_ibuf [dreg:s7], $0x2FFFF;
	_ =	strace $0x9FFFFFFF  }
0xc3: {  	(tm) =	ssettm $0x7FFFFFFF  }
tec
execute0_lowered:
.L_overlay_start_1:
0x0: {  	(tag) =	ssettag $0x1  }
0x1: {  	s1 =	rddreg [dreg:$0x0]  }
0x2: {  	s5 =	rddreg [dreg:$0x1]  }
0x3: {  	s3 =	rddreg [dreg:$0x2];
	s4 =	simm.s32 $0x0;
	s2 =	stileid.u32  }
0x4: {  	s6 =	srdreg.scid;
	s19 =	simm.s32 $0x100;
	s20 =	simm.s32 $0x80  }
0x5: {  	s28 =	simm.s32 $0x4;
	s29 =	simm.s32 $0x0;
	[smem:$0x7FF] =	sst s4  }
0x6: {  	s7 =	smul.u32 $0x2800, s2;
	s6 =	sand.u32 $0x1, s6;
	s16 =	sadd.s32 $0x84A00, s5  }
0x7: {  	s15 =	sadd.s32 $0x2A00, s5;
	s22 =	smul.u32 $0x50000, s2;
	s30 =	sshll.u32 s2, $0x6  }
0x8: {  	_ =	strace $0x80000050;
	s8 =	smul.u32 $0x28000, s6;
	s21 =	sshll.u32 s6, $0x4  }
0x9: {  	s23 =	ssub.s32 $0x2, s6;
	s6 =	sor.u32 $0x1C05, s30;
	s9 =	sadd.s32 s7, s5  }
0xa: {  	s24 =	sor.u32 s2, s21;
	s25 =	sshrl.u32 s23, $0x1;
	s26 =	sshrl.u32 s22, $0x2  }
0xb: {  	s21 =	simm.s32 $0x200;
	s22 =	simm.s32 $0x180;
	s12 =	sadd.s32 s7, s8  }
0xc: {  	s10 =	smul.u32 $0x2800, s24;
	s13 =	ssub.s32 s23, s25;
	s17 =	sadd.s32 s26, s3  }
0xd: {  	s23 =	simm.s32 $0x4200;
	s24 =	simm.s32 $0x1;
	s25 =	simm.s32 $0x2  }
0xe: {  	s26 =	simm.s32 $0x3;
	s11 =	sadd.s32 s12, s5;
	s5 =	sadd.s32 $0xCA00, s9  }
0xf: {  	s14 =	sor.u32 $0x180, s12;
	s18 =	sor.u32 $0x100, s12;
	s12 =	smax.u32 s13, $0x1  }
0x10: {  	s17 =	sshrl.u32 s17, $0x3;
	s31 =	sshrl.u32 s10, $0x3;
	s11 =	sadd.s32 $0x34A00, s11  }
0x11: {  	s14 =	sshrl.u32 s14, $0x3;
	s18 =	sshrl.u32 s18, $0x3;
	s7 =	sadd.s32 s16, s31  }
0x12: {  	s8 =	sadd.s32 s15, s31;
	s10 =	sor.u32 $0x10, s31;
	s13 =	sadd.s32 s14, s15  }
0x13: {  	s14 =	sadd.s32 s14, s16;
	s9 =	sadd.s32 s16, s10;
	s10 =	sadd.s32 s15, s10  }
0x14: {  	s15 =	sadd.s32 s18, s15;
	s16 =	sadd.s32 s18, s16;
	s18 =	simm.s32 $0x5  }
.LBB2_1:
0x15: {  	[spmem:s17], [sflag:s6] =	dma.local [hbm:s5], $0x2800  }
0x16: {  	_ =	swait.ge [sflag:s18], $0x2800  }
0x17: {  	[sflag:s18] =	ssyncset.done $0x0  }
0x18: {  	[sflag:s18] =	ssyncadd.s32 $0xFFFFD800  }
0x19: {  	[tilespmem:s4], [sflag:$0x5] =	stream.linear.gather [hbm4b:s7+s4], $0x80, $0x38;
	[tilespmem:$0x1C200] =	vst v63  }
0x1a: {  	_ =	swait.ge [sflag:s18], $0x80  }
0x1b: {  	[sflag:s18] =	ssyncset.done $0x0  }
0x1c: {  	[sflag:s18] =	ssyncadd.s32 $0xFFFFFF80  }
0x1d: {  	[tilespmem:s19], [sflag:$0x5] =	stream.linear.gather [hbm4b:s8+s4], $0x80, $0x38;
	[tilespmem:$0x1C200] =	vst v63  }
0x1e: {  	_ =	swait.ge [sflag:s18], $0x80  }
0x1f: {  	[sflag:s18] =	ssyncset.done $0x0  }
0x20: {  	[sflag:s18] =	ssyncadd.s32 $0xFFFFFF80  }
0x21: {  	[tilespmem:s21], [sflag:$0x1] =	stream.indirect.gather [hbm4b:s1+s20], $0x80, s4, s20, $0xb8;
	[tilespmem:$0x1C200] =	vst v63  }
0x22: {  	_ = 	snop  }
0x23: {  	[tilespmem:s20], [sflag:$0x5] =	stream.linear.gather [hbm4b:s9+s4], $0x80, $0x38;
	[tilespmem:$0x1C200] =	vst v63  }
0x24: {  	_ =	swait.ge [sflag:s18], $0x80  }
0x25: {  	[sflag:s18] =	ssyncset.done $0x0  }
0x26: {  	[sflag:s18] =	ssyncadd.s32 $0xFFFFFF80  }
0x27: {  	[tilespmem:s22], [sflag:$0x5] =	stream.linear.gather [hbm4b:s10+s4], $0x80, $0x38;
	[tilespmem:$0x1C200] =	vst v63  }
0x28: {  	_ =	swait.ge [sflag:s18], $0x80  }
0x29: {  	[sflag:s18] =	ssyncset.done $0x0  }
0x2a: {  	[sflag:s18] =	ssyncadd.s32 $0xFFFFFF80  }
0x2b: {  	[tilespmem:s23], [sflag:$0x2] =	stream.indirect.gather [hbm4b:s1+s20], $0x80, s20, s20, $0xb8;
	[tilespmem:$0x1C200] =	vst v63  }
0x2c: {  	[bflag:$0x0] =	sbarrier.arrive $0xFFFF  }
0x2d: {  	_ =	swait.ge [sflag:s24], $0x4000  }
0x2e: {  	[sflag:s24] =	ssyncset.done $0x0  }
0x2f: {  	[sflag:s24] =	ssyncadd.s32 $0xFFFFC000  }
0x30: {  	[spmem:s3] =	stream.indirect.scatter.add.f32 [tilespmem:s21], [sflag:$0x3], $0x80, s19, s20, $0xb8;
	[tilespmem:$0x1C200] =	vst v63  }
0x31: {  	_ =	swait.ge [sflag:s25], $0x4000  }
0x32: {  	[sflag:s25] =	ssyncset.done $0x0  }
0x33: {  	[sflag:s25] =	ssyncadd.s32 $0xFFFFC000  }
0x34: {  	[spmem:s3] =	stream.indirect.scatter.add.f32 [tilespmem:s23], [sflag:$0x4], $0x80, s22, s20, $0xb8;
	[tilespmem:$0x1C200] =	vst v63  }
0x35: {  	s30 =	sadd.s32 $0x0, s16  }
0x36: {  	[tilespmem:s4], [sflag:$0x5] =	stream.linear.gather [hbm4b:s30+s4], $0x80, $0x38;
	[tilespmem:$0x1C200] =	vst v63  }
0x37: {  	_ =	swait.ge [sflag:s18], $0x80  }
0x38: {  	[sflag:s18] =	ssyncset.done $0x0  }
0x39: {  	[sflag:s18] =	ssyncadd.s32 $0xFFFFFF80  }
0x3a: {  	_ =	swait.ge [sflag:s26], $0x4000  }
0x3b: {  	[sflag:s26] =	ssyncset.done $0x0  }
0x3c: {  	s30 =	sadd.s32 $0x0, s15;
	[sflag:s26] =	ssyncadd.s32 $0xFFFFC000  }
0x3d: {  	[tilespmem:s19], [sflag:$0x5] =	stream.linear.gather [hbm4b:s30+s4], $0x80, $0x38;
	[tilespmem:$0x1C200] =	vst v63  }
0x3e: {  	_ =	swait.ge [sflag:s18], $0x80  }
0x3f: {  	[sflag:s18] =	ssyncset.done $0x0  }
0x40: {  	[sflag:s18] =	ssyncadd.s32 $0xFFFFFF80  }
0x41: {  	[tilespmem:s21], [sflag:$0x1] =	stream.indirect.gather [hbm4b:s1+s20], $0x80, s4, s20, $0xb8;
	[tilespmem:$0x1C200] =	vst v63  }
0x42: {  	s30 =	sadd.s32 $0x0, s14  }
0x43: {  	[tilespmem:s20], [sflag:$0x5] =	stream.linear.gather [hbm4b:s30+s4], $0x80, $0x38;
	[tilespmem:$0x1C200] =	vst v63  }
0x44: {  	_ =	swait.ge [sflag:s18], $0x80  }
0x45: {  	[sflag:s18] =	ssyncset.done $0x0  }
0x46: {  	[sflag:s18] =	ssyncadd.s32 $0xFFFFFF80  }
0x47: {  	_ =	swait.ge [sflag:s28], $0x4000  }
0x48: {  	[sflag:s28] =	ssyncset.done $0x0  }
0x49: {  	s30 =	sadd.s32 $0x0, s13;
	[sflag:s28] =	ssyncadd.s32 $0xFFFFC000  }
0x4a: {  	[tilespmem:s22], [sflag:$0x5] =	stream.linear.gather [hbm4b:s30+s4], $0x80, $0x38;
	[tilespmem:$0x1C200] =	vst v63  }
0x4b: {  	_ =	swait.ge [sflag:s18], $0x80  }
0x4c: {  	[sflag:s18] =	ssyncset.done $0x0  }
0x4d: {  	s30 =	simm.s32 $0x20;
	[sflag:s18] =	ssyncadd.s32 $0xFFFFFF80  }
.LBB2_2:
0x4e: {  	[tilespmem:s23], [sflag:$0x2] =	stream.indirect.gather [hbm4b:s1+s20], $0x80, s20, s20, $0xb8;
	[tilespmem:$0x1C200] =	vst v63  }
0x4f: {  	s31 =	smov.u32 s30  }
0x50: {  	p0 =	sne.s32 s30, $0x4C0;
	s30 =	sadd.s32 $0x20, s30;
	_ =	swait.ge [sflag:s24], $0x4000  }
0x51: {  	[sflag:s24] =	ssyncset.done $0x0  }
0x52: {  	[sflag:s24] =	ssyncadd.s32 $0xFFFFC000  }
0x53: {  	[spmem:s3] =	stream.indirect.scatter.add.f32 [tilespmem:s21], [sflag:$0x3], $0x80, s19, s20, $0xb8;
	[tilespmem:$0x1C200] =	vst v63  }
0x54: {  	_ =	swait.ge [sflag:s25], $0x4000  }
0x55: {  	[sflag:s25] =	ssyncset.done $0x0  }
0x56: {  	[sflag:s25] =	ssyncadd.s32 $0xFFFFC000  }
0x57: {  	[spmem:s3] =	stream.indirect.scatter.add.f32 [tilespmem:s23], [sflag:$0x4], $0x80, s22, s20, $0xb8;
	[tilespmem:$0x1C200] =	vst v63  }
0x58: {  	s0 =	sadd.s32 s31, s16  }
0x59: {  	[tilespmem:s4], [sflag:$0x5] =	stream.linear.gather [hbm4b:s0+s4], $0x80, $0x38;
	[tilespmem:$0x1C200] =	vst v63  }
0x5a: {  	_ =	swait.ge [sflag:s18], $0x80  }
0x5b: {  	[sflag:s18] =	ssyncset.done $0x0  }
0x5c: {  	[sflag:s18] =	ssyncadd.s32 $0xFFFFFF80  }
0x5d: {  	_ =	swait.ge [sflag:s26], $0x4000  }
0x5e: {  	[sflag:s26] =	ssyncset.done $0x0  }
0x5f: {  	s0 =	sadd.s32 s31, s15;
	[sflag:s26] =	ssyncadd.s32 $0xFFFFC000  }
0x60: {  	[tilespmem:s19], [sflag:$0x5] =	stream.linear.gather [hbm4b:s0+s4], $0x80, $0x38;
	[tilespmem:$0x1C200] =	vst v63  }
0x61: {  	_ =	swait.ge [sflag:s18], $0x80  }
0x62: {  	[sflag:s18] =	ssyncset.done $0x0  }
0x63: {  	[sflag:s18] =	ssyncadd.s32 $0xFFFFFF80  }
0x64: {  	[tilespmem:s21], [sflag:$0x1] =	stream.indirect.gather [hbm4b:s1+s20], $0x80, s4, s20, $0xb8;
	[tilespmem:$0x1C200] =	vst v63  }
0x65: {  	s0 =	sadd.s32 s31, s14  }
0x66: {  	[tilespmem:s20], [sflag:$0x5] =	stream.linear.gather [hbm4b:s0+s4], $0x80, $0x38;
	[tilespmem:$0x1C200] =	vst v63  }
0x67: {  	_ =	swait.ge [sflag:s18], $0x80  }
0x68: {  	[sflag:s18] =	ssyncset.done $0x0  }
0x69: {  	[sflag:s18] =	ssyncadd.s32 $0xFFFFFF80  }
0x6a: {  	_ =	swait.ge [sflag:s28], $0x4000  }
0x6b: {  	[sflag:s28] =	ssyncset.done $0x0  }
.Ltmp0:
0x6c: {  	s0 =	sadd.s32 s31, s13;
	[sflag:s28] =	ssyncadd.s32 $0xFFFFC000;
	(pc) =	sbr.rel @p0 .LBB2_2-.Ltmp0, $4  }
0x6d: {  	[tilespmem:s22], [sflag:$0x5] =	stream.linear.gather [hbm4b:s0+s4], $0x80, $0x38;
	[tilespmem:$0x1C200] =	vst v63  }
0x6e: {  	_ =	swait.ge [sflag:s18], $0x80  }
0x6f: {  	[sflag:s18] =	ssyncset.done $0x0  }
0x70: {  	[sflag:s18] =	ssyncadd.s32 $0xFFFFFF80  }
0x71: {  	[tilespmem:s23], [sflag:$0x2] =	stream.indirect.gather [hbm4b:s1+s20], $0x80, s20, s20, $0xb8;
	[tilespmem:$0x1C200] =	vst v63  }
0x72: {  	_ =	swait.ge [sflag:s24], $0x4000  }
0x73: {  	[sflag:s24] =	ssyncset.done $0x0  }
0x74: {  	[sflag:s24] =	ssyncadd.s32 $0xFFFFC000  }
0x75: {  	[spmem:s3] =	stream.indirect.scatter.add.f32 [tilespmem:s21], [sflag:$0x3], $0x80, s19, s20, $0xb8;
	[tilespmem:$0x1C200] =	vst v63  }
0x76: {  	_ =	swait.ge [sflag:s25], $0x4000  }
0x77: {  	[sflag:s25] =	ssyncset.done $0x0  }
0x78: {  	[sflag:s25] =	ssyncadd.s32 $0xFFFFC000  }
0x79: {  	[spmem:s3] =	stream.indirect.scatter.add.f32 [tilespmem:s23], [sflag:$0x4], $0x80, s22, s20, $0xb8;
	[tilespmem:$0x1C200] =	vst v63  }
0x7a: {  	_ =	swait.ge [sflag:s26], $0x4000  }
0x7b: {  	[sflag:s26] =	ssyncset.done $0x0  }
0x7c: {  	[sflag:s26] =	ssyncadd.s32 $0xFFFFC000  }
0x7d: {  	_ =	swait.ge [sflag:s28], $0x4000  }
0x7e: {  	s29 =	sadd.s32 $0x1, s29;
	[sflag:s28] =	ssyncset.done $0x0  }
0x7f: {  	p0 =	sne.s32 s29, s12;
	[sflag:s28] =	ssyncadd.s32 $0xFFFFC000  }
.Ltmp1:
0x80: {  	[bflag:$0x0] =	sbarrier.arrive $0xFFFF;
	(pc) =	sbr.rel @p0 .LBB2_1-.Ltmp1, $4  }
0x81: {  	[hbm:s11], [sflag:s6] =	dma.local [spmem:s17], $0x2800  }
0x82: {  	_ =	swait.ge [sflag:s18], $0x2800  }
0x83: {  	[sflag:s18] =	ssyncset.done $0x0  }
0x84: {  	[sflag:s18] =	ssyncadd.s32 $0xFFFFD800  }
0x85: {  	_ =	sfence.sel $0x180000  }
0x86: {  	[bflag:$0x0] =	sbarrier.arrive $0xFFFF  }
0x87: {  	_ =	strace $0x90000050  }
0x88: {  	[bflag:$0x2] =	sbarrier.arrive $0xFFFF  }
0x89: {  	p0 =	sne.s32 s2, $0x0;
	s0 =	rddreg [dreg:$0x3]  }
0x8a: {  	s0 =	sadd.s32 @!p0 $0x100000, s0  }
0x8b: {  	[sflag:s0] =	ssyncadd.tile.s32 @!p0 $0x1;
	_ =	shalt  }
.Lfunc_end2:
_tile_overlayer_lowered:
.L_overlay_start_2:
0x8c: {  	(tag) =	ssettag $0x2  }
0x8d: {  	s0 =	rddreg [dreg:$0x0];
	s2 =	stileid.u32  }
0x8e: {  	s1 =	rddreg [dreg:$0x1];
	p0 =	sne.s32 s2, $0x0  }
0x8f: {  	s3 =	rddreg [dreg:$0x2];
	[bflag:$0x3] =	sbarrier.arrive $0xFFFF;
	s2 =	simm.s32 @!p0 $0x1C05  }
0x90: {  	[timem:s3], [sflag:s2] =	dma.local @!p0 [hbm:s0], s1  }
0x91: {  	s0 =	simm.s32 @!p0 $0x5  }
0x92: {  	_ =	swait.ge @!p0 [sflag:s0], s1  }
0x93: {  	s1 =	ssub.s32 @!p0 $0x0, s1;
	[sflag:s0] =	ssyncset.done @!p0 $0x0  }
0x94: {  	[sflag:s0] =	ssyncadd.s32 @!p0 s1  }
0x95: {  	[bflag:$0x3] =	sbarrier.arrive $0xFFFF  }
0x96: {  	_ =	shalt  }

</sc_bundles>
